<compile_context>
chip_gen: v7x
topology: tpu7x:2x2x1
jax: 0.10.2.dev20260603
libtpu: 0.0.44.dev20260713+nightly
codegen_flags: <defaults>
</compile_context>

<pallas_src>
import functools

import jax
import jax.numpy as jnp
from jax import lax
from jax.experimental import pallas as pl
from jax.experimental.pallas import tpu as pltpu
from jax.experimental.pallas import tpu_sc as plsc

RADIUS = 0.09
KS = 3
GRID = 10
TQ = 128
TP = 128
TOT_STEPS = 896
EPS = 1e-8


def _cconv_body(qb_ref, pb_ref, first_ref, last_ref, valid_ref,
                qp_ref, pp_ref, f_ref, wm_ref, b_ref,
                out_ref, s_acc, cnt_acc):
    i = pl.program_id(0)

    @pl.when(first_ref[i] == 1)
    def _init():
        s_acc[...] = jnp.zeros_like(s_acc)
        cnt_acc[...] = jnp.zeros_like(cnt_acc)

    def _accum_pairs(rx, ry, rz, r2, mask):
        norm = jnp.sqrt(jnp.maximum(r2, EPS))
        ninf = jnp.maximum(
            jnp.maximum(jnp.abs(rx), jnp.abs(ry)),
            jnp.maximum(jnp.abs(rz), EPS))
        scale = jnp.where(r2 > EPS, norm / ninf, 0.0)
        gx = rx * scale + 1.0
        gy = ry * scale + 1.0
        gz = rz * scale + 1.0
        wx = [jnp.maximum(1.0 - jnp.abs(gx - c), 0.0) for c in (0.0, 1.0, 2.0)]
        wy = [jnp.maximum(1.0 - jnp.abs(gy - c), 0.0) for c in (0.0, 1.0, 2.0)]
        wz = [jnp.maximum(1.0 - jnp.abs(gz - c), 0.0) for c in (0.0, 1.0, 2.0)]
        coeffs = []
        for cx in range(KS):
            wxm = wx[cx] * mask
            for cy in range(KS):
                wxy = wxm * wy[cy]
                for cz in range(KS):
                    coeffs.append(wxy * wz[cz])
        a = jnp.concatenate(coeffs, axis=0)
        s_acc[...] += jax.lax.dot_general(
            a, f_ref[...], (((1,), (0,)), ((), ())),
            preferred_element_type=jnp.float32)
        cnt_acc[...] += jnp.sum(mask, axis=1, keepdims=True)

    @pl.when(valid_ref[i] == 1)
    def _accum():
        inv_r = 1.0 / RADIUS
        rx = (pp_ref[0:1, :] - qp_ref[:, 0:1]) * inv_r
        ry = (pp_ref[1:2, :] - qp_ref[:, 1:2]) * inv_r
        rz = (pp_ref[2:3, :] - qp_ref[:, 2:3]) * inv_r
        r2 = rx * rx + ry * ry + rz * rz
        mask = (r2 <= 1.0).astype(jnp.float32)
        _accum_pairs(rx, ry, rz, r2, mask)

    @pl.when(last_ref[i] == 1)
    def _finish():
        s3 = s_acc[...].reshape(KS * KS * KS, TQ, -1)
        per_cell = jax.lax.dot_general(
            s3, wm_ref[...], (((2,), (1,)), ((0,), (0,))),
            preferred_element_type=jnp.float32)
        o = jnp.sum(per_cell, axis=0)
        n = jnp.maximum(cnt_acc[...], 1.0)
        out_ref[...] = o / n + b_ref[0:1, :]


_SC_CHUNK = 128


def _sc_permute_gather(table_f, table_p, idx, npass):
    info = plsc.get_sparse_core_info()
    nc, ns = info.num_cores, info.num_subcores
    nw = nc * ns
    b_tot = idx.shape[0]
    assert b_tot == nw * npass * _SC_CHUNK
    d_f = table_f.shape[1]
    d_p = table_p.shape[1]
    mesh = plsc.VectorSubcoreMesh(core_axis_name="c", subcore_axis_name="s")

    bpw = npass * _SC_CHUNK

    @functools.partial(
        pl.kernel, mesh=mesh,
        compiler_params=pltpu.CompilerParams(use_tc_tiling_on_sc=False),
        out_type=[jax.ShapeDtypeStruct((b_tot, d_f), jnp.float32),
                  jax.ShapeDtypeStruct((b_tot, d_p), jnp.float32)],
        scratch_types=[pltpu.VMEM((8, _SC_CHUNK), jnp.int32),
                       pltpu.VMEM((bpw, d_f), jnp.float32),
                       pltpu.VMEM((bpw, d_p), jnp.float32),
                       pltpu.SemaphoreType.DMA],
    )
    def k(tf_hbm, tp_hbm, idx_hbm, of_hbm, op_hbm, idx_v, rf_v, rp_v, sem):
        wid = lax.axis_index("s") * nc + lax.axis_index("c")
        base = wid * bpw
        pltpu.sync_copy(idx_hbm.at[pl.ds(wid * 8, 8)], idx_v)
        copies = []
        for p in range(npass):
            dst = pl.ds(p * _SC_CHUNK, _SC_CHUNK)
            copies.append(
                pltpu.async_copy(tf_hbm.at[idx_v.at[p]], rf_v.at[dst], sem))
            copies.append(
                pltpu.async_copy(tp_hbm.at[idx_v.at[p]], rp_v.at[dst], sem))
        for c in copies:
            c.wait()
        pltpu.sync_copy(rf_v, of_hbm.at[pl.ds(base, bpw)])
        pltpu.sync_copy(rp_v, op_hbm.at[pl.ds(base, bpw)])

    idx2 = jnp.pad(idx.reshape(nw, npass, _SC_CHUNK),
                   ((0, 0), (0, 8 - npass), (0, 0)),
                   constant_values=0).reshape(nw * 8, _SC_CHUNK)
    return k(table_f, table_p, idx2)


def _sc_scatter_rows(rows, idx, npass):
    info = plsc.get_sparse_core_info()
    nc, ns = info.num_cores, info.num_subcores
    nw = nc * ns
    b_tot = rows.shape[0]
    assert b_tot == nw * npass * _SC_CHUNK
    d = rows.shape[1]
    mesh = plsc.VectorSubcoreMesh(core_axis_name="c", subcore_axis_name="s")

    bpw = npass * _SC_CHUNK

    @functools.partial(
        pl.kernel, mesh=mesh,
        compiler_params=pltpu.CompilerParams(use_tc_tiling_on_sc=False),
        out_type=jax.ShapeDtypeStruct((b_tot, d), jnp.float32),
        scratch_types=[pltpu.VMEM((8, _SC_CHUNK), jnp.int32),
                       pltpu.VMEM((bpw, d), jnp.float32),
                       pltpu.SemaphoreType.DMA],
    )
    def k(rows_hbm, idx_hbm, out_hbm, idx_v, r_v, sem):
        wid = lax.axis_index("s") * nc + lax.axis_index("c")
        base = wid * bpw
        pltpu.sync_copy(idx_hbm.at[pl.ds(wid * 8, 8)], idx_v)
        pltpu.sync_copy(rows_hbm.at[pl.ds(base, bpw)], r_v)
        copies = []
        for p in range(npass):
            src = pl.ds(p * _SC_CHUNK, _SC_CHUNK)
            copies.append(
                pltpu.async_copy(r_v.at[src], out_hbm.at[idx_v.at[p]], sem))
        for c in copies:
            c.wait()

    idx2 = jnp.pad(idx.reshape(nw, npass, _SC_CHUNK),
                   ((0, 0), (0, 8 - npass), (0, 0)),
                   constant_values=0).reshape(nw * 8, _SC_CHUNK)
    return k(rows, idx2)


def kernel(feats, points, W, b):
    n, c_in = feats.shape
    c_out = W.shape[-1]
    qb = (n + TQ - 1) // TQ
    np_pad = qb * TQ
    ncell = GRID * GRID * GRID

    feats = feats.astype(jnp.float32)
    points = points.astype(jnp.float32)

    ijk = jnp.clip((points * GRID).astype(jnp.int32), 0, GRID - 1)
    cell = (ijk[:, 0] * GRID + ijk[:, 1]) * GRID + ijk[:, 2]
    order = jnp.argsort(cell).astype(jnp.int32)

    nw_rows = 32 * _SC_CHUNK
    npass = -(-max(np_pad, n) // nw_rows)
    b_tot = npass * nw_rows
    table_p = jnp.concatenate(
        [jnp.pad(points, ((0, 0), (0, 125)), constant_values=0.0),
         jnp.full((1, 128), 1e6, jnp.float32)], axis=0)
    table_f = jnp.concatenate(
        [feats, jnp.zeros((1, c_in), jnp.float32)], axis=0)
    idx_g = jnp.concatenate(
        [order, jnp.full((b_tot - n,), n, jnp.int32)])
    rows_f, rows_p = _sc_permute_gather(table_f, table_p, idx_g, npass)
    feats_pad = rows_f[:np_pad]
    pts8 = rows_p[:np_pad, :8]
    ptsT = rows_p[:np_pad, :3].T
    pts_s = rows_p[:n, :3]
    ijk_s = jnp.clip((pts_s * GRID).astype(jnp.int32), 0, GRID - 1)
    cell_s = (ijk_s[:, 0] * GRID + ijk_s[:, 1]) * GRID + ijk_s[:, 2]

    blk = jnp.arange(n, dtype=jnp.int32) // TQ
    memb = jnp.zeros((qb, ncell), jnp.float32).at[blk, cell_s].set(1.0)
    cid = jnp.arange(ncell, dtype=jnp.int32)
    cx, cy, cz = cid // (GRID * GRID), (cid // GRID) % GRID, cid % GRID
    nbmat = ((jnp.abs(cx[:, None] - cx[None, :]) <= 1)
             & (jnp.abs(cy[:, None] - cy[None, :]) <= 1)
             & (jnp.abs(cz[:, None] - cz[None, :]) <= 1)).astype(jnp.float32)
    cellcov = (memb @ nbmat > 0).astype(jnp.float32)
    cov = cellcov @ memb.T > 0
    counts = jnp.sum(cov, axis=1).astype(jnp.int32)
    pb_sorted = jnp.argsort(~cov, axis=1, stable=True).astype(jnp.int32)
    ends = jnp.cumsum(counts)
    starts = ends - counts
    total = ends[-1]

    tot = min(TOT_STEPS, qb * qb)
    i_flat = jnp.arange(tot, dtype=jnp.int32)
    valid_tab = (i_flat < total).astype(jnp.int32)
    i_cl = jnp.minimum(i_flat, total - 1)
    r_of_i = jnp.searchsorted(ends, i_cl, side='right').astype(jnp.int32)
    j_of_i = i_cl - starts[r_of_i]
    qb_tab = r_of_i
    pb_tab = pb_sorted[r_of_i, j_of_i]
    first_tab = ((j_of_i == 0) & (valid_tab == 1)).astype(jnp.int32)
    last_tab = ((j_of_i == counts[r_of_i] - 1)
                & (valid_tab == 1)).astype(jnp.int32)

    wm = W.astype(jnp.float32).reshape(KS * KS * KS, c_in, c_out)
    b2 = b.astype(jnp.float32).reshape(1, c_out)

    grid_spec = pltpu.PrefetchScalarGridSpec(
        num_scalar_prefetch=5,
        grid=(tot,),
        in_specs=[
            pl.BlockSpec((TQ, 8), lambda i, qt, pt, ft, lt, vt: (qt[i], 0)),
            pl.BlockSpec((3, TP), lambda i, qt, pt, ft, lt, vt: (0, pt[i])),
            pl.BlockSpec((TP, c_in),
                         lambda i, qt, pt, ft, lt, vt: (pt[i], 0)),
            pl.BlockSpec((KS * KS * KS, c_in, c_out),
                         lambda i, qt, pt, ft, lt, vt: (0, 0, 0)),
            pl.BlockSpec((1, c_out), lambda i, qt, pt, ft, lt, vt: (0, 0)),
        ],
        out_specs=pl.BlockSpec((TQ, c_out),
                               lambda i, qt, pt, ft, lt, vt: (qt[i], 0)),
        scratch_shapes=[
            pltpu.VMEM((KS * KS * KS * TQ, c_in), jnp.float32),
            pltpu.VMEM((TQ, 1), jnp.float32),
        ],
    )
    out_sorted = pl.pallas_call(
        _cconv_body,
        grid_spec=grid_spec,
        out_shape=jax.ShapeDtypeStruct((np_pad, c_out), jnp.float32),
    )(qb_tab, pb_tab, first_tab, last_tab, valid_tab,
      pts8, ptsT, feats_pad, wm, b2)

    rows_o = jnp.pad(
        jnp.concatenate(
            [out_sorted, jnp.zeros((b_tot - np_pad, c_out), jnp.float32)],
            axis=0),
        ((0, 0), (0, 128 - c_out)))
    idx_s = jnp.concatenate(
        [order, jnp.arange(n, b_tot, dtype=jnp.int32)])
    out = _sc_scatter_rows(rows_o, idx_s, npass)
    return out[:n, :c_out]

# --- scband reference (transcript-rebuilt; emitter-appended) ---
"""Pipeline reference for scband-my-net-50861002719666 (READ-ONLY COPY).

The authoritative reference and input builder live on the scoring server;
editing this copy changes nothing except your own understanding.
"""

import jax, jax.numpy as jnp
import numpy as np

N = 10000
C_IN = 128
C_OUT = 32
RADIUS = 0.09
K_NBR = 64
KS = 3


def setup_inputs(seed: int = 0) -> dict:
    key = jax.random.key(seed)
    k1, k2, k3, k4 = jax.random.split(key, 4)
    feats = jax.random.normal(k1, (N, C_IN), dtype=jnp.float32)
    points = jax.random.uniform(k2, (N, 3), dtype=jnp.float32)
    # ContinuousConv learned params: kernel [ks,ks,ks,C_in,filters] and bias [filters]
    W = jax.random.normal(k3, (KS, KS, KS, C_IN, C_OUT), dtype=jnp.float32) * (1.0 / np.sqrt(C_IN * KS))
    b = jax.random.normal(k4, (C_OUT,), dtype=jnp.float32) * 0.01
    return {"feats": feats, "points": points, "W": W, "b": b}


def _cconv_forward(feats, points, W, b):
    # Open3D ml3d.layers.ContinuousConv with kernel_size=[3,3,3], extents=2*radius,
    # defaults: coordinate_mapping='ball_to_cube_radial', interpolation='linear',
    # normalize=True, use_bias=True. Queries == support points.
    n = feats.shape[0]
    Wm = W.reshape(KS * KS * KS, C_IN, C_OUT)
    cells = jnp.arange(KS, dtype=feats.dtype)
    eps = 1e-8
    outs = []
    CH = 1000
    for s in range(0, n, CH):
        q = points[s:s + CH]                                  # [ch,3]
        ch = q.shape[0]
        d2 = jnp.sum((q[:, None, :] - points[None, :, :]) ** 2, axis=-1)  # [ch,N]
        _, idx = jax.lax.top_k(-d2, K_NBR)                    # nearest K candidates
        nbr_p = points[idx]                                   # [ch,K,3] gather
        nbr_f = feats[idx]                                    # [ch,K,C_in] gather
        rel = (nbr_p - q[:, None, :]) / RADIUS                # normalized relative pos
        r2 = jnp.sum(rel * rel, axis=-1)                      # [ch,K]
        mask = (r2 <= 1.0).astype(feats.dtype)                # radius = extent/2 ball search
        norm = jnp.sqrt(jnp.maximum(r2, eps))
        ninf = jnp.maximum(jnp.max(jnp.abs(rel), axis=-1), eps)
        # ball_to_cube_radial mapping: v * ||v||_2 / ||v||_inf
        cube = jnp.where(r2[..., None] > eps,
                         rel * (norm / ninf)[..., None],
                         jnp.zeros_like(rel))                 # [-1,1]^3
        grid = (cube + 1.0) * 0.5 * (KS - 1)                  # [0, ks-1]
        # trilinear (linear) interpolation weights over 3x3x3 kernel grid
        wax = jnp.maximum(1.0 - jnp.abs(grid[..., None] - cells), 0.0)  # [ch,K,3axes,3cells]
        coeff = (wax[:, :, 0, :, None, None] *
                 wax[:, :, 1, None, :, None] *
                 wax[:, :, 2, None, None, :]).reshape(ch, K_NBR, KS * KS * KS)
        coeff = coeff * mask[..., None]
        S = jnp.einsum('qkc,qkf->qcf', coeff, nbr_f)          # per-cell feature accumulation
        o = jnp.einsum('qcf,cfo->qo', S, Wm)                  # kernel application
        nnb = jnp.maximum(jnp.sum(mask, axis=-1), 1.0)        # normalize=True: / #neighbors
        o = o / nnb[:, None] + b
        outs.append(o)
    return jnp.concatenate(outs, axis=0)


def reference(feats, points, W, b):
    return _cconv_forward(feats, points, W, b)

if __name__ == "__main__":
    import jax
    _d = setup_inputs()
    print(jax.jit(kernel)(*tuple(_d.values())))

</pallas_src>

<mosaic_0001>
#map = affine_map<(d0, d1) -> (0, 0)>
module attributes {stable_mosaic.version = 14 : i64} {
  func.func @k(%arg0: i32, %arg1: i32, %arg2: memref<10001x128xf32, #tpu.memory_space<hbm>>, %arg3: memref<10001x128xf32, #tpu.memory_space<hbm>>, %arg4: memref<256x128xi32, #tpu.memory_space<hbm>>, %arg5: memref<12288x128xf32, #tpu.memory_space<hbm>>, %arg6: memref<12288x128xf32, #tpu.memory_space<hbm>>, %arg7: memref<8x128xi32, #tpu.memory_space<vmem>>, %arg8: memref<384x128xf32, #tpu.memory_space<vmem>>, %arg9: memref<384x128xf32, #tpu.memory_space<vmem>>, %arg10: memref<!tpu.dma_semaphore, #tpu.memory_space<semaphore_mem>>) attributes {dimension_semantics = [#tpu.dimension_semantics<core_parallel>, #tpu.dimension_semantics<subcore_parallel>], iteration_bounds = array<i64: 2, 16>, scalar_prefetch = 0 : i64, scratch_operands = 4 : i64, tpu.core_type = #tpu.core_type<sc_vector_subcore>, window_params = [{transform_indices = #map}, {transform_indices = #map}, {transform_indices = #map}, {transform_indices = #map}, {transform_indices = #map}]} {
    %mul3A = arith.constant 2 : i32
    %mul3A_0 = arith.muli %arg1, %mul3A : i32
    %add3A = arith.addi %mul3A_0, %arg0 : i32
    %mul3A_1 = arith.constant 384 : i32
    %mul3A_2 = arith.muli %add3A, %mul3A_1 : i32
    %mul3A_3 = arith.constant 8 : i32
    %mul3A_4 = arith.muli %add3A, %mul3A_3 : i32
    "tpu.region"() ({
      %run_scoped3A = tpu.sem_alloc : memref<!tpu.dma_semaphore, #tpu.memory_space<semaphore_mem>>
      %dma_start3A_123 = arith.constant 0 : i32
      %dma_start3A_124 = tpu.memref_slice %arg4[%mul3A_4, %dma_start3A_123] : memref<256x128xi32, #tpu.memory_space<hbm>> -> memref<8x128xi32, #tpu.memory_space<hbm>>
      %dma_start3A_125 = arith.constant 0 : i32
      %dma_start3A_126 = tpu.memref_slice %arg4[%mul3A_4, %dma_start3A_125] : memref<256x128xi32, #tpu.memory_space<hbm>> -> memref<8x128xi32, #tpu.memory_space<hbm>>
      tpu.enqueue_dma source(%dma_start3A_126 : memref<8x128xi32, #tpu.memory_space<hbm>>) target(%arg7 : memref<8x128xi32, #tpu.memory_space<vmem>>) target_semaphore(%run_scoped3A : memref<!tpu.dma_semaphore, #tpu.memory_space<semaphore_mem>>)
      %dma_wait3A_127 = arith.constant 0 : i32
      %dma_wait3A_128 = tpu.memref_slice %arg4[%mul3A_4, %dma_wait3A_127] : memref<256x128xi32, #tpu.memory_space<hbm>> -> memref<8x128xi32, #tpu.memory_space<hbm>>
      %dma_wait3A_129 = arith.constant 0 : i32
      %dma_wait3A_130 = tpu.memref_slice %arg4[%mul3A_4, %dma_wait3A_129] : memref<256x128xi32, #tpu.memory_space<hbm>> -> memref<8x128xi32, #tpu.memory_space<hbm>>
      tpu.wait_dma2 semaphore(%run_scoped3A : memref<!tpu.dma_semaphore, #tpu.memory_space<semaphore_mem>>) src(%dma_wait3A_130 : memref<8x128xi32, #tpu.memory_space<hbm>>) dst(%arg7 : memref<8x128xi32, #tpu.memory_space<vmem>>)
      tpu.yield
    }) : () -> ()
    %dma_start3A = arith.constant 0 : i32
    %dma_start3A_5 = arith.constant 0 : i32
    %dma_start3A_6 = arith.constant 0 : i32
    %dma_start3A_7 = tpu.memref_slice %arg8[%dma_start3A_5, %dma_start3A_6] : memref<384x128xf32, #tpu.memory_space<vmem>> -> memref<128x128xf32, #tpu.memory_space<vmem>>
    %dma_start3A_8 = arith.constant 0 : i32
    %dma_start3A_9 = tpu.memref_slice %arg7[%dma_start3A, %dma_start3A_8] : memref<8x128xi32, #tpu.memory_space<vmem>> -> memref<1x128xi32, #tpu.memory_space<vmem>>
    %dma_start3A_10 = tpu.memref_squeeze %dma_start3A_9 : memref<1x128xi32, #tpu.memory_space<vmem>> -> memref<128xi32, #tpu.memory_space<vmem>>
    %dma_start3A_11 = arith.constant 0 : i32
    %dma_start3A_12 = arith.constant 0 : i32
    %dma_start3A_13 = tpu.memref_slice %arg2[%dma_start3A_11, %dma_start3A_12] : memref<10001x128xf32, #tpu.memory_space<hbm>> -> memref<10001x128xf32, #tpu.memory_space<hbm>>
    tpu.enqueue_indirect_dma source(%dma_start3A_13 : memref<10001x128xf32, #tpu.memory_space<hbm>>) target(%dma_start3A_7 : memref<128x128xf32, #tpu.memory_space<vmem>>) offsets(%dma_start3A_10 : memref<128xi32, #tpu.memory_space<vmem>>) semaphore(%arg10 : memref<!tpu.dma_semaphore, #tpu.memory_space<semaphore_mem>>)
    %dma_start3A_14 = arith.constant 0 : i32
    %dma_start3A_15 = arith.constant 0 : i32
    %dma_start3A_16 = arith.constant 0 : i32
    %dma_start3A_17 = tpu.memref_slice %arg9[%dma_start3A_15, %dma_start3A_16] : memref<384x128xf32, #tpu.memory_space<vmem>> -> memref<128x128xf32, #tpu.memory_space<vmem>>
    %dma_start3A_18 = arith.constant 0 : i32
    %dma_start3A_19 = tpu.memref_slice %arg7[%dma_start3A_14, %dma_start3A_18] : memref<8x128xi32, #tpu.memory_space<vmem>> -> memref<1x128xi32, #tpu.memory_space<vmem>>
    %dma_start3A_20 = tpu.memref_squeeze %dma_start3A_19 : memref<1x128xi32, #tpu.memory_space<vmem>> -> memref<128xi32, #tpu.memory_space<vmem>>
    %dma_start3A_21 = arith.constant 0 : i32
    %dma_start3A_22 = arith.constant 0 : i32
    %dma_start3A_23 = tpu.memref_slice %arg3[%dma_start3A_21, %dma_start3A_22] : memref<10001x128xf32, #tpu.memory_space<hbm>> -> memref<10001x128xf32, #tpu.memory_space<hbm>>
    tpu.enqueue_indirect_dma source(%dma_start3A_23 : memref<10001x128xf32, #tpu.memory_space<hbm>>) target(%dma_start3A_17 : memref<128x128xf32, #tpu.memory_space<vmem>>) offsets(%dma_start3A_20 : memref<128xi32, #tpu.memory_space<vmem>>) semaphore(%arg10 : memref<!tpu.dma_semaphore, #tpu.memory_space<semaphore_mem>>)
    %dma_start3A_24 = arith.constant 1 : i32
    %dma_start3A_25 = arith.constant 128 : i32
    %dma_start3A_26 = arith.constant 0 : i32
    %dma_start3A_27 = tpu.memref_slice %arg8[%dma_start3A_25, %dma_start3A_26] : memref<384x128xf32, #tpu.memory_space<vmem>> -> memref<128x128xf32, #tpu.memory_space<vmem>>
    %dma_start3A_28 = arith.constant 0 : i32
    %dma_start3A_29 = tpu.memref_slice %arg7[%dma_start3A_24, %dma_start3A_28] : memref<8x128xi32, #tpu.memory_space<vmem>> -> memref<1x128xi32, #tpu.memory_space<vmem>>
    %dma_start3A_30 = tpu.memref_squeeze %dma_start3A_29 : memref<1x128xi32, #tpu.memory_space<vmem>> -> memref<128xi32, #tpu.memory_space<vmem>>
    %dma_start3A_31 = arith.constant 0 : i32
    %dma_start3A_32 = arith.constant 0 : i32
    %dma_start3A_33 = tpu.memref_slice %arg2[%dma_start3A_31, %dma_start3A_32] : memref<10001x128xf32, #tpu.memory_space<hbm>> -> memref<10001x128xf32, #tpu.memory_space<hbm>>
    tpu.enqueue_indirect_dma source(%dma_start3A_33 : memref<10001x128xf32, #tpu.memory_space<hbm>>) target(%dma_start3A_27 : memref<128x128xf32, #tpu.memory_space<vmem>>) offsets(%dma_start3A_30 : memref<128xi32, #tpu.memory_space<vmem>>) semaphore(%arg10 : memref<!tpu.dma_semaphore, #tpu.memory_space<semaphore_mem>>)
    %dma_start3A_34 = arith.constant 1 : i32
    %dma_start3A_35 = arith.constant 128 : i32
    %dma_start3A_36 = arith.constant 0 : i32
    %dma_start3A_37 = tpu.memref_slice %arg9[%dma_start3A_35, %dma_start3A_36] : memref<384x128xf32, #tpu.memory_space<vmem>> -> memref<128x128xf32, #tpu.memory_space<vmem>>
    %dma_start3A_38 = arith.constant 0 : i32
    %dma_start3A_39 = tpu.memref_slice %arg7[%dma_start3A_34, %dma_start3A_38] : memref<8x128xi32, #tpu.memory_space<vmem>> -> memref<1x128xi32, #tpu.memory_space<vmem>>
    %dma_start3A_40 = tpu.memref_squeeze %dma_start3A_39 : memref<1x128xi32, #tpu.memory_space<vmem>> -> memref<128xi32, #tpu.memory_space<vmem>>
    %dma_start3A_41 = arith.constant 0 : i32
    %dma_start3A_42 = arith.constant 0 : i32
    %dma_start3A_43 = tpu.memref_slice %arg3[%dma_start3A_41, %dma_start3A_42] : memref<10001x128xf32, #tpu.memory_space<hbm>> -> memref<10001x128xf32, #tpu.memory_space<hbm>>
    tpu.enqueue_indirect_dma source(%dma_start3A_43 : memref<10001x128xf32, #tpu.memory_space<hbm>>) target(%dma_start3A_37 : memref<128x128xf32, #tpu.memory_space<vmem>>) offsets(%dma_start3A_40 : memref<128xi32, #tpu.memory_space<vmem>>) semaphore(%arg10 : memref<!tpu.dma_semaphore, #tpu.memory_space<semaphore_mem>>)
    %dma_start3A_44 = arith.constant 2 : i32
    %dma_start3A_45 = arith.constant 256 : i32
    %dma_start3A_46 = arith.constant 0 : i32
    %dma_start3A_47 = tpu.memref_slice %arg8[%dma_start3A_45, %dma_start3A_46] : memref<384x128xf32, #tpu.memory_space<vmem>> -> memref<128x128xf32, #tpu.memory_space<vmem>>
    %dma_start3A_48 = arith.constant 0 : i32
    %dma_start3A_49 = tpu.memref_slice %arg7[%dma_start3A_44, %dma_start3A_48] : memref<8x128xi32, #tpu.memory_space<vmem>> -> memref<1x128xi32, #tpu.memory_space<vmem>>
    %dma_start3A_50 = tpu.memref_squeeze %dma_start3A_49 : memref<1x128xi32, #tpu.memory_space<vmem>> -> memref<128xi32, #tpu.memory_space<vmem>>
    %dma_start3A_51 = arith.constant 0 : i32
    %dma_start3A_52 = arith.constant 0 : i32
    %dma_start3A_53 = tpu.memref_slice %arg2[%dma_start3A_51, %dma_start3A_52] : memref<10001x128xf32, #tpu.memory_space<hbm>> -> memref<10001x128xf32, #tpu.memory_space<hbm>>
    tpu.enqueue_indirect_dma source(%dma_start3A_53 : memref<10001x128xf32, #tpu.memory_space<hbm>>) target(%dma_start3A_47 : memref<128x128xf32, #tpu.memory_space<vmem>>) offsets(%dma_start3A_50 : memref<128xi32, #tpu.memory_space<vmem>>) semaphore(%arg10 : memref<!tpu.dma_semaphore, #tpu.memory_space<semaphore_mem>>)
    %dma_start3A_54 = arith.constant 2 : i32
    %dma_start3A_55 = arith.constant 256 : i32
    %dma_start3A_56 = arith.constant 0 : i32
    %dma_start3A_57 = tpu.memref_slice %arg9[%dma_start3A_55, %dma_start3A_56] : memref<384x128xf32, #tpu.memory_space<vmem>> -> memref<128x128xf32, #tpu.memory_space<vmem>>
    %dma_start3A_58 = arith.constant 0 : i32
    %dma_start3A_59 = tpu.memref_slice %arg7[%dma_start3A_54, %dma_start3A_58] : memref<8x128xi32, #tpu.memory_space<vmem>> -> memref<1x128xi32, #tpu.memory_space<vmem>>
    %dma_start3A_60 = tpu.memref_squeeze %dma_start3A_59 : memref<1x128xi32, #tpu.memory_space<vmem>> -> memref<128xi32, #tpu.memory_space<vmem>>
    %dma_start3A_61 = arith.constant 0 : i32
    %dma_start3A_62 = arith.constant 0 : i32
    %dma_start3A_63 = tpu.memref_slice %arg3[%dma_start3A_61, %dma_start3A_62] : memref<10001x128xf32, #tpu.memory_space<hbm>> -> memref<10001x128xf32, #tpu.memory_space<hbm>>
    tpu.enqueue_indirect_dma source(%dma_start3A_63 : memref<10001x128xf32, #tpu.memory_space<hbm>>) target(%dma_start3A_57 : memref<128x128xf32, #tpu.memory_space<vmem>>) offsets(%dma_start3A_60 : memref<128xi32, #tpu.memory_space<vmem>>) semaphore(%arg10 : memref<!tpu.dma_semaphore, #tpu.memory_space<semaphore_mem>>)
    %dma_wait3A = arith.constant 0 : i32
    %dma_wait3A_64 = arith.constant 0 : i32
    %dma_wait3A_65 = arith.constant 0 : i32
    %dma_wait3A_66 = tpu.memref_slice %arg8[%dma_wait3A_64, %dma_wait3A_65] : memref<384x128xf32, #tpu.memory_space<vmem>> -> memref<128x128xf32, #tpu.memory_space<vmem>>
    %dma_wait3A_67 = arith.constant 0 : i32
    %dma_wait3A_68 = tpu.memref_slice %arg7[%dma_wait3A, %dma_wait3A_67] : memref<8x128xi32, #tpu.memory_space<vmem>> -> memref<1x128xi32, #tpu.memory_space<vmem>>
    %dma_wait3A_69 = tpu.memref_squeeze %dma_wait3A_68 : memref<1x128xi32, #tpu.memory_space<vmem>> -> memref<128xi32, #tpu.memory_space<vmem>>
    %dma_wait3A_70 = arith.constant 0 : i32
    %dma_wait3A_71 = arith.constant 0 : i32
    %dma_wait3A_72 = tpu.memref_slice %arg2[%dma_wait3A_70, %dma_wait3A_71] : memref<10001x128xf32, #tpu.memory_space<hbm>> -> memref<10001x128xf32, #tpu.memory_space<hbm>>
    tpu.wait_indirect_dma semaphore(%arg10 : memref<!tpu.dma_semaphore, #tpu.memory_space<semaphore_mem>>) src(%dma_wait3A_72 : memref<10001x128xf32, #tpu.memory_space<hbm>>) dst(%dma_wait3A_66 : memref<128x128xf32, #tpu.memory_space<vmem>>)
    %dma_wait3A_73 = arith.constant 0 : i32
    %dma_wait3A_74 = arith.constant 0 : i32
    %dma_wait3A_75 = arith.constant 0 : i32
    %dma_wait3A_76 = tpu.memref_slice %arg9[%dma_wait3A_74, %dma_wait3A_75] : memref<384x128xf32, #tpu.memory_space<vmem>> -> memref<128x128xf32, #tpu.memory_space<vmem>>
    %dma_wait3A_77 = arith.constant 0 : i32
    %dma_wait3A_78 = tpu.memref_slice %arg7[%dma_wait3A_73, %dma_wait3A_77] : memref<8x128xi32, #tpu.memory_space<vmem>> -> memref<1x128xi32, #tpu.memory_space<vmem>>
    %dma_wait3A_79 = tpu.memref_squeeze %dma_wait3A_78 : memref<1x128xi32, #tpu.memory_space<vmem>> -> memref<128xi32, #tpu.memory_space<vmem>>
    %dma_wait3A_80 = arith.constant 0 : i32
    %dma_wait3A_81 = arith.constant 0 : i32
    %dma_wait3A_82 = tpu.memref_slice %arg3[%dma_wait3A_80, %dma_wait3A_81] : memref<10001x128xf32, #tpu.memory_space<hbm>> -> memref<10001x128xf32, #tpu.memory_space<hbm>>
    tpu.wait_indirect_dma semaphore(%arg10 : memref<!tpu.dma_semaphore, #tpu.memory_space<semaphore_mem>>) src(%dma_wait3A_82 : memref<10001x128xf32, #tpu.memory_space<hbm>>) dst(%dma_wait3A_76 : memref<128x128xf32, #tpu.memory_space<vmem>>)
    %dma_wait3A_83 = arith.constant 1 : i32
    %dma_wait3A_84 = arith.constant 128 : i32
    %dma_wait3A_85 = arith.constant 0 : i32
    %dma_wait3A_86 = tpu.memref_slice %arg8[%dma_wait3A_84, %dma_wait3A_85] : memref<384x128xf32, #tpu.memory_space<vmem>> -> memref<128x128xf32, #tpu.memory_space<vmem>>
    %dma_wait3A_87 = arith.constant 0 : i32
    %dma_wait3A_88 = tpu.memref_slice %arg7[%dma_wait3A_83, %dma_wait3A_87] : memref<8x128xi32, #tpu.memory_space<vmem>> -> memref<1x128xi32, #tpu.memory_space<vmem>>
    %dma_wait3A_89 = tpu.memref_squeeze %dma_wait3A_88 : memref<1x128xi32, #tpu.memory_space<vmem>> -> memref<128xi32, #tpu.memory_space<vmem>>
    %dma_wait3A_90 = arith.constant 0 : i32
    %dma_wait3A_91 = arith.constant 0 : i32
    %dma_wait3A_92 = tpu.memref_slice %arg2[%dma_wait3A_90, %dma_wait3A_91] : memref<10001x128xf32, #tpu.memory_space<hbm>> -> memref<10001x128xf32, #tpu.memory_space<hbm>>
    tpu.wait_indirect_dma semaphore(%arg10 : memref<!tpu.dma_semaphore, #tpu.memory_space<semaphore_mem>>) src(%dma_wait3A_92 : memref<10001x128xf32, #tpu.memory_space<hbm>>) dst(%dma_wait3A_86 : memref<128x128xf32, #tpu.memory_space<vmem>>)
    %dma_wait3A_93 = arith.constant 1 : i32
    %dma_wait3A_94 = arith.constant 128 : i32
    %dma_wait3A_95 = arith.constant 0 : i32
    %dma_wait3A_96 = tpu.memref_slice %arg9[%dma_wait3A_94, %dma_wait3A_95] : memref<384x128xf32, #tpu.memory_space<vmem>> -> memref<128x128xf32, #tpu.memory_space<vmem>>
    %dma_wait3A_97 = arith.constant 0 : i32
    %dma_wait3A_98 = tpu.memref_slice %arg7[%dma_wait3A_93, %dma_wait3A_97] : memref<8x128xi32, #tpu.memory_space<vmem>> -> memref<1x128xi32, #tpu.memory_space<vmem>>
    %dma_wait3A_99 = tpu.memref_squeeze %dma_wait3A_98 : memref<1x128xi32, #tpu.memory_space<vmem>> -> memref<128xi32, #tpu.memory_space<vmem>>
    %dma_wait3A_100 = arith.constant 0 : i32
    %dma_wait3A_101 = arith.constant 0 : i32
    %dma_wait3A_102 = tpu.memref_slice %arg3[%dma_wait3A_100, %dma_wait3A_101] : memref<10001x128xf32, #tpu.memory_space<hbm>> -> memref<10001x128xf32, #tpu.memory_space<hbm>>
    tpu.wait_indirect_dma semaphore(%arg10 : memref<!tpu.dma_semaphore, #tpu.memory_space<semaphore_mem>>) src(%dma_wait3A_102 : memref<10001x128xf32, #tpu.memory_space<hbm>>) dst(%dma_wait3A_96 : memref<128x128xf32, #tpu.memory_space<vmem>>)
    %dma_wait3A_103 = arith.constant 2 : i32
    %dma_wait3A_104 = arith.constant 256 : i32
    %dma_wait3A_105 = arith.constant 0 : i32
    %dma_wait3A_106 = tpu.memref_slice %arg8[%dma_wait3A_104, %dma_wait3A_105] : memref<384x128xf32, #tpu.memory_space<vmem>> -> memref<128x128xf32, #tpu.memory_space<vmem>>
    %dma_wait3A_107 = arith.constant 0 : i32
    %dma_wait3A_108 = tpu.memref_slice %arg7[%dma_wait3A_103, %dma_wait3A_107] : memref<8x128xi32, #tpu.memory_space<vmem>> -> memref<1x128xi32, #tpu.memory_space<vmem>>
    %dma_wait3A_109 = tpu.memref_squeeze %dma_wait3A_108 : memref<1x128xi32, #tpu.memory_space<vmem>> -> memref<128xi32, #tpu.memory_space<vmem>>
    %dma_wait3A_110 = arith.constant 0 : i32
    %dma_wait3A_111 = arith.constant 0 : i32
    %dma_wait3A_112 = tpu.memref_slice %arg2[%dma_wait3A_110, %dma_wait3A_111] : memref<10001x128xf32, #tpu.memory_space<hbm>> -> memref<10001x128xf32, #tpu.memory_space<hbm>>
    tpu.wait_indirect_dma semaphore(%arg10 : memref<!tpu.dma_semaphore, #tpu.memory_space<semaphore_mem>>) src(%dma_wait3A_112 : memref<10001x128xf32, #tpu.memory_space<hbm>>) dst(%dma_wait3A_106 : memref<128x128xf32, #tpu.memory_space<vmem>>)
    %dma_wait3A_113 = arith.constant 2 : i32
    %dma_wait3A_114 = arith.constant 256 : i32
    %dma_wait3A_115 = arith.constant 0 : i32
    %dma_wait3A_116 = tpu.memref_slice %arg9[%dma_wait3A_114, %dma_wait3A_115] : memref<384x128xf32, #tpu.memory_space<vmem>> -> memref<128x128xf32, #tpu.memory_space<vmem>>
    %dma_wait3A_117 = arith.constant 0 : i32
    %dma_wait3A_118 = tpu.memref_slice %arg7[%dma_wait3A_113, %dma_wait3A_117] : memref<8x128xi32, #tpu.memory_space<vmem>> -> memref<1x128xi32, #tpu.memory_space<vmem>>
    %dma_wait3A_119 = tpu.memref_squeeze %dma_wait3A_118 : memref<1x128xi32, #tpu.memory_space<vmem>> -> memref<128xi32, #tpu.memory_space<vmem>>
    %dma_wait3A_120 = arith.constant 0 : i32
    %dma_wait3A_121 = arith.constant 0 : i32
    %dma_wait3A_122 = tpu.memref_slice %arg3[%dma_wait3A_120, %dma_wait3A_121] : memref<10001x128xf32, #tpu.memory_space<hbm>> -> memref<10001x128xf32, #tpu.memory_space<hbm>>
    tpu.wait_indirect_dma semaphore(%arg10 : memref<!tpu.dma_semaphore, #tpu.memory_space<semaphore_mem>>) src(%dma_wait3A_122 : memref<10001x128xf32, #tpu.memory_space<hbm>>) dst(%dma_wait3A_116 : memref<128x128xf32, #tpu.memory_space<vmem>>)
    "tpu.region"() ({
      %run_scoped3A = tpu.sem_alloc : memref<!tpu.dma_semaphore, #tpu.memory_space<semaphore_mem>>
      %dma_start3A_123 = arith.constant 0 : i32
      %dma_start3A_124 = tpu.memref_slice %arg5[%mul3A_2, %dma_start3A_123] : memref<12288x128xf32, #tpu.memory_space<hbm>> -> memref<384x128xf32, #tpu.memory_space<hbm>>
      %dma_start3A_125 = arith.constant 0 : i32
      %dma_start3A_126 = tpu.memref_slice %arg5[%mul3A_2, %dma_start3A_125] : memref<12288x128xf32, #tpu.memory_space<hbm>> -> memref<384x128xf32, #tpu.memory_space<hbm>>
      tpu.enqueue_dma source(%arg8 : memref<384x128xf32, #tpu.memory_space<vmem>>) target(%dma_start3A_126 : memref<384x128xf32, #tpu.memory_space<hbm>>) target_semaphore(%run_scoped3A : memref<!tpu.dma_semaphore, #tpu.memory_space<semaphore_mem>>)
      %dma_wait3A_127 = arith.constant 0 : i32
      %dma_wait3A_128 = tpu.memref_slice %arg5[%mul3A_2, %dma_wait3A_127] : memref<12288x128xf32, #tpu.memory_space<hbm>> -> memref<384x128xf32, #tpu.memory_space<hbm>>
      %dma_wait3A_129 = arith.constant 0 : i32
      %dma_wait3A_130 = tpu.memref_slice %arg5[%mul3A_2, %dma_wait3A_129] : memref<12288x128xf32, #tpu.memory_space<hbm>> -> memref<384x128xf32, #tpu.memory_space<hbm>>
      tpu.wait_dma2 semaphore(%run_scoped3A : memref<!tpu.dma_semaphore, #tpu.memory_space<semaphore_mem>>) src(%arg8 : memref<384x128xf32, #tpu.memory_space<vmem>>) dst(%dma_wait3A_130 : memref<384x128xf32, #tpu.memory_space<hbm>>)
      tpu.yield
    }) : () -> ()
    "tpu.region"() ({
      %run_scoped3A = tpu.sem_alloc : memref<!tpu.dma_semaphore, #tpu.memory_space<semaphore_mem>>
      %dma_start3A_123 = arith.constant 0 : i32
      %dma_start3A_124 = tpu.memref_slice %arg6[%mul3A_2, %dma_start3A_123] : memref<12288x128xf32, #tpu.memory_space<hbm>> -> memref<384x128xf32, #tpu.memory_space<hbm>>
      %dma_start3A_125 = arith.constant 0 : i32
      %dma_start3A_126 = tpu.memref_slice %arg6[%mul3A_2, %dma_start3A_125] : memref<12288x128xf32, #tpu.memory_space<hbm>> -> memref<384x128xf32, #tpu.memory_space<hbm>>
      tpu.enqueue_dma source(%arg9 : memref<384x128xf32, #tpu.memory_space<vmem>>) target(%dma_start3A_126 : memref<384x128xf32, #tpu.memory_space<hbm>>) target_semaphore(%run_scoped3A : memref<!tpu.dma_semaphore, #tpu.memory_space<semaphore_mem>>)
      %dma_wait3A_127 = arith.constant 0 : i32
      %dma_wait3A_128 = tpu.memref_slice %arg6[%mul3A_2, %dma_wait3A_127] : memref<12288x128xf32, #tpu.memory_space<hbm>> -> memref<384x128xf32, #tpu.memory_space<hbm>>
      %dma_wait3A_129 = arith.constant 0 : i32
      %dma_wait3A_130 = tpu.memref_slice %arg6[%mul3A_2, %dma_wait3A_129] : memref<12288x128xf32, #tpu.memory_space<hbm>> -> memref<384x128xf32, #tpu.memory_space<hbm>>
      tpu.wait_dma2 semaphore(%run_scoped3A : memref<!tpu.dma_semaphore, #tpu.memory_space<semaphore_mem>>) src(%arg9 : memref<384x128xf32, #tpu.memory_space<vmem>>) dst(%dma_wait3A_130 : memref<384x128xf32, #tpu.memory_space<hbm>>)
      tpu.yield
    }) : () -> ()
    return
  }
}

#map = affine_map<(d0, d1) -> (0, 0)>
module attributes {stable_mosaic.version = 14 : i64} {
  func.func @k(%arg0: i32, %arg1: i32, %arg2: memref<12288x128xf32, #tpu.memory_space<hbm>>, %arg3: memref<256x128xi32, #tpu.memory_space<hbm>>, %arg4: memref<12288x128xf32, #tpu.memory_space<hbm>>, %arg5: memref<8x128xi32, #tpu.memory_space<vmem>>, %arg6: memref<384x128xf32, #tpu.memory_space<vmem>>, %arg7: memref<!tpu.dma_semaphore, #tpu.memory_space<semaphore_mem>>) attributes {dimension_semantics = [#tpu.dimension_semantics<core_parallel>, #tpu.dimension_semantics<subcore_parallel>], iteration_bounds = array<i64: 2, 16>, scalar_prefetch = 0 : i64, scratch_operands = 3 : i64, tpu.core_type = #tpu.core_type<sc_vector_subcore>, window_params = [{transform_indices = #map}, {transform_indices = #map}, {transform_indices = #map}]} {
    %mul3A = arith.constant 2 : i32
    %mul3A_0 = arith.muli %arg1, %mul3A : i32
    %add3A = arith.addi %mul3A_0, %arg0 : i32
    %mul3A_1 = arith.constant 384 : i32
    %mul3A_2 = arith.muli %add3A, %mul3A_1 : i32
    %mul3A_3 = arith.constant 8 : i32
    %mul3A_4 = arith.muli %add3A, %mul3A_3 : i32
    "tpu.region"() ({
      %run_scoped3A = tpu.sem_alloc : memref<!tpu.dma_semaphore, #tpu.memory_space<semaphore_mem>>
      %dma_start3A_63 = arith.constant 0 : i32
      %dma_start3A_64 = tpu.memref_slice %arg3[%mul3A_4, %dma_start3A_63] : memref<256x128xi32, #tpu.memory_space<hbm>> -> memref<8x128xi32, #tpu.memory_space<hbm>>
      %dma_start3A_65 = arith.constant 0 : i32
      %dma_start3A_66 = tpu.memref_slice %arg3[%mul3A_4, %dma_start3A_65] : memref<256x128xi32, #tpu.memory_space<hbm>> -> memref<8x128xi32, #tpu.memory_space<hbm>>
      tpu.enqueue_dma source(%dma_start3A_66 : memref<8x128xi32, #tpu.memory_space<hbm>>) target(%arg5 : memref<8x128xi32, #tpu.memory_space<vmem>>) target_semaphore(%run_scoped3A : memref<!tpu.dma_semaphore, #tpu.memory_space<semaphore_mem>>)
      %dma_wait3A_67 = arith.constant 0 : i32
      %dma_wait3A_68 = tpu.memref_slice %arg3[%mul3A_4, %dma_wait3A_67] : memref<256x128xi32, #tpu.memory_space<hbm>> -> memref<8x128xi32, #tpu.memory_space<hbm>>
      %dma_wait3A_69 = arith.constant 0 : i32
      %dma_wait3A_70 = tpu.memref_slice %arg3[%mul3A_4, %dma_wait3A_69] : memref<256x128xi32, #tpu.memory_space<hbm>> -> memref<8x128xi32, #tpu.memory_space<hbm>>
      tpu.wait_dma2 semaphore(%run_scoped3A : memref<!tpu.dma_semaphore, #tpu.memory_space<semaphore_mem>>) src(%dma_wait3A_70 : memref<8x128xi32, #tpu.memory_space<hbm>>) dst(%arg5 : memref<8x128xi32, #tpu.memory_space<vmem>>)
      tpu.yield
    }) : () -> ()
    "tpu.region"() ({
      %run_scoped3A = tpu.sem_alloc : memref<!tpu.dma_semaphore, #tpu.memory_space<semaphore_mem>>
      %dma_start3A_63 = arith.constant 0 : i32
      %dma_start3A_64 = tpu.memref_slice %arg2[%mul3A_2, %dma_start3A_63] : memref<12288x128xf32, #tpu.memory_space<hbm>> -> memref<384x128xf32, #tpu.memory_space<hbm>>
      %dma_start3A_65 = arith.constant 0 : i32
      %dma_start3A_66 = tpu.memref_slice %arg2[%mul3A_2, %dma_start3A_65] : memref<12288x128xf32, #tpu.memory_space<hbm>> -> memref<384x128xf32, #tpu.memory_space<hbm>>
      tpu.enqueue_dma source(%dma_start3A_66 : memref<384x128xf32, #tpu.memory_space<hbm>>) target(%arg6 : memref<384x128xf32, #tpu.memory_space<vmem>>) target_semaphore(%run_scoped3A : memref<!tpu.dma_semaphore, #tpu.memory_space<semaphore_mem>>)
      %dma_wait3A_67 = arith.constant 0 : i32
      %dma_wait3A_68 = tpu.memref_slice %arg2[%mul3A_2, %dma_wait3A_67] : memref<12288x128xf32, #tpu.memory_space<hbm>> -> memref<384x128xf32, #tpu.memory_space<hbm>>
      %dma_wait3A_69 = arith.constant 0 : i32
      %dma_wait3A_70 = tpu.memref_slice %arg2[%mul3A_2, %dma_wait3A_69] : memref<12288x128xf32, #tpu.memory_space<hbm>> -> memref<384x128xf32, #tpu.memory_space<hbm>>
      tpu.wait_dma2 semaphore(%run_scoped3A : memref<!tpu.dma_semaphore, #tpu.memory_space<semaphore_mem>>) src(%dma_wait3A_70 : memref<384x128xf32, #tpu.memory_space<hbm>>) dst(%arg6 : memref<384x128xf32, #tpu.memory_space<vmem>>)
      tpu.yield
    }) : () -> ()
    %dma_start3A = arith.constant 0 : i32
    %dma_start3A_5 = arith.constant 0 : i32
    %dma_start3A_6 = arith.constant 0 : i32
    %dma_start3A_7 = tpu.memref_slice %arg6[%dma_start3A_5, %dma_start3A_6] : memref<384x128xf32, #tpu.memory_space<vmem>> -> memref<128x128xf32, #tpu.memory_space<vmem>>
    %dma_start3A_8 = arith.constant 0 : i32
    %dma_start3A_9 = tpu.memref_slice %arg5[%dma_start3A, %dma_start3A_8] : memref<8x128xi32, #tpu.memory_space<vmem>> -> memref<1x128xi32, #tpu.memory_space<vmem>>
    %dma_start3A_10 = tpu.memref_squeeze %dma_start3A_9 : memref<1x128xi32, #tpu.memory_space<vmem>> -> memref<128xi32, #tpu.memory_space<vmem>>
    %dma_start3A_11 = arith.constant 0 : i32
    %dma_start3A_12 = arith.constant 0 : i32
    %dma_start3A_13 = tpu.memref_slice %arg4[%dma_start3A_11, %dma_start3A_12] : memref<12288x128xf32, #tpu.memory_space<hbm>> -> memref<12288x128xf32, #tpu.memory_space<hbm>>
    tpu.enqueue_indirect_dma source(%dma_start3A_7 : memref<128x128xf32, #tpu.memory_space<vmem>>) target(%dma_start3A_13 : memref<12288x128xf32, #tpu.memory_space<hbm>>) offsets(%dma_start3A_10 : memref<128xi32, #tpu.memory_space<vmem>>) semaphore(%arg7 : memref<!tpu.dma_semaphore, #tpu.memory_space<semaphore_mem>>)
    %dma_start3A_14 = arith.constant 1 : i32
    %dma_start3A_15 = arith.constant 128 : i32
    %dma_start3A_16 = arith.constant 0 : i32
    %dma_start3A_17 = tpu.memref_slice %arg6[%dma_start3A_15, %dma_start3A_16] : memref<384x128xf32, #tpu.memory_space<vmem>> -> memref<128x128xf32, #tpu.memory_space<vmem>>
    %dma_start3A_18 = arith.constant 0 : i32
    %dma_start3A_19 = tpu.memref_slice %arg5[%dma_start3A_14, %dma_start3A_18] : memref<8x128xi32, #tpu.memory_space<vmem>> -> memref<1x128xi32, #tpu.memory_space<vmem>>
    %dma_start3A_20 = tpu.memref_squeeze %dma_start3A_19 : memref<1x128xi32, #tpu.memory_space<vmem>> -> memref<128xi32, #tpu.memory_space<vmem>>
    %dma_start3A_21 = arith.constant 0 : i32
    %dma_start3A_22 = arith.constant 0 : i32
    %dma_start3A_23 = tpu.memref_slice %arg4[%dma_start3A_21, %dma_start3A_22] : memref<12288x128xf32, #tpu.memory_space<hbm>> -> memref<12288x128xf32, #tpu.memory_space<hbm>>
    tpu.enqueue_indirect_dma source(%dma_start3A_17 : memref<128x128xf32, #tpu.memory_space<vmem>>) target(%dma_start3A_23 : memref<12288x128xf32, #tpu.memory_space<hbm>>) offsets(%dma_start3A_20 : memref<128xi32, #tpu.memory_space<vmem>>) semaphore(%arg7 : memref<!tpu.dma_semaphore, #tpu.memory_space<semaphore_mem>>)
    %dma_start3A_24 = arith.constant 2 : i32
    %dma_start3A_25 = arith.constant 256 : i32
    %dma_start3A_26 = arith.constant 0 : i32
    %dma_start3A_27 = tpu.memref_slice %arg6[%dma_start3A_25, %dma_start3A_26] : memref<384x128xf32, #tpu.memory_space<vmem>> -> memref<128x128xf32, #tpu.memory_space<vmem>>
    %dma_start3A_28 = arith.constant 0 : i32
    %dma_start3A_29 = tpu.memref_slice %arg5[%dma_start3A_24, %dma_start3A_28] : memref<8x128xi32, #tpu.memory_space<vmem>> -> memref<1x128xi32, #tpu.memory_space<vmem>>
    %dma_start3A_30 = tpu.memref_squeeze %dma_start3A_29 : memref<1x128xi32, #tpu.memory_space<vmem>> -> memref<128xi32, #tpu.memory_space<vmem>>
    %dma_start3A_31 = arith.constant 0 : i32
    %dma_start3A_32 = arith.constant 0 : i32
    %dma_start3A_33 = tpu.memref_slice %arg4[%dma_start3A_31, %dma_start3A_32] : memref<12288x128xf32, #tpu.memory_space<hbm>> -> memref<12288x128xf32, #tpu.memory_space<hbm>>
    tpu.enqueue_indirect_dma source(%dma_start3A_27 : memref<128x128xf32, #tpu.memory_space<vmem>>) target(%dma_start3A_33 : memref<12288x128xf32, #tpu.memory_space<hbm>>) offsets(%dma_start3A_30 : memref<128xi32, #tpu.memory_space<vmem>>) semaphore(%arg7 : memref<!tpu.dma_semaphore, #tpu.memory_space<semaphore_mem>>)
    %dma_wait3A = arith.constant 0 : i32
    %dma_wait3A_34 = arith.constant 0 : i32
    %dma_wait3A_35 = arith.constant 0 : i32
    %dma_wait3A_36 = tpu.memref_slice %arg6[%dma_wait3A_34, %dma_wait3A_35] : memref<384x128xf32, #tpu.memory_space<vmem>> -> memref<128x128xf32, #tpu.memory_space<vmem>>
    %dma_wait3A_37 = arith.constant 0 : i32
    %dma_wait3A_38 = tpu.memref_slice %arg5[%dma_wait3A, %dma_wait3A_37] : memref<8x128xi32, #tpu.memory_space<vmem>> -> memref<1x128xi32, #tpu.memory_space<vmem>>
    %dma_wait3A_39 = tpu.memref_squeeze %dma_wait3A_38 : memref<1x128xi32, #tpu.memory_space<vmem>> -> memref<128xi32, #tpu.memory_space<vmem>>
    %dma_wait3A_40 = arith.constant 0 : i32
    %dma_wait3A_41 = arith.constant 0 : i32
    %dma_wait3A_42 = tpu.memref_slice %arg4[%dma_wait3A_40, %dma_wait3A_41] : memref<12288x128xf32, #tpu.memory_space<hbm>> -> memref<12288x128xf32, #tpu.memory_space<hbm>>
    tpu.wait_indirect_dma semaphore(%arg7 : memref<!tpu.dma_semaphore, #tpu.memory_space<semaphore_mem>>) src(%dma_wait3A_36 : memref<128x128xf32, #tpu.memory_space<vmem>>) dst(%dma_wait3A_42 : memref<12288x128xf32, #tpu.memory_space<hbm>>)
    %dma_wait3A_43 = arith.constant 1 : i32
    %dma_wait3A_44 = arith.constant 128 : i32
    %dma_wait3A_45 = arith.constant 0 : i32
    %dma_wait3A_46 = tpu.memref_slice %arg6[%dma_wait3A_44, %dma_wait3A_45] : memref<384x128xf32, #tpu.memory_space<vmem>> -> memref<128x128xf32, #tpu.memory_space<vmem>>
    %dma_wait3A_47 = arith.constant 0 : i32
    %dma_wait3A_48 = tpu.memref_slice %arg5[%dma_wait3A_43, %dma_wait3A_47] : memref<8x128xi32, #tpu.memory_space<vmem>> -> memref<1x128xi32, #tpu.memory_space<vmem>>
    %dma_wait3A_49 = tpu.memref_squeeze %dma_wait3A_48 : memref<1x128xi32, #tpu.memory_space<vmem>> -> memref<128xi32, #tpu.memory_space<vmem>>
    %dma_wait3A_50 = arith.constant 0 : i32
    %dma_wait3A_51 = arith.constant 0 : i32
    %dma_wait3A_52 = tpu.memref_slice %arg4[%dma_wait3A_50, %dma_wait3A_51] : memref<12288x128xf32, #tpu.memory_space<hbm>> -> memref<12288x128xf32, #tpu.memory_space<hbm>>
    tpu.wait_indirect_dma semaphore(%arg7 : memref<!tpu.dma_semaphore, #tpu.memory_space<semaphore_mem>>) src(%dma_wait3A_46 : memref<128x128xf32, #tpu.memory_space<vmem>>) dst(%dma_wait3A_52 : memref<12288x128xf32, #tpu.memory_space<hbm>>)
    %dma_wait3A_53 = arith.constant 2 : i32
    %dma_wait3A_54 = arith.constant 256 : i32
    %dma_wait3A_55 = arith.constant 0 : i32
    %dma_wait3A_56 = tpu.memref_slice %arg6[%dma_wait3A_54, %dma_wait3A_55] : memref<384x128xf32, #tpu.memory_space<vmem>> -> memref<128x128xf32, #tpu.memory_space<vmem>>
    %dma_wait3A_57 = arith.constant 0 : i32
    %dma_wait3A_58 = tpu.memref_slice %arg5[%dma_wait3A_53, %dma_wait3A_57] : memref<8x128xi32, #tpu.memory_space<vmem>> -> memref<1x128xi32, #tpu.memory_space<vmem>>
    %dma_wait3A_59 = tpu.memref_squeeze %dma_wait3A_58 : memref<1x128xi32, #tpu.memory_space<vmem>> -> memref<128xi32, #tpu.memory_space<vmem>>
    %dma_wait3A_60 = arith.constant 0 : i32
    %dma_wait3A_61 = arith.constant 0 : i32
    %dma_wait3A_62 = tpu.memref_slice %arg4[%dma_wait3A_60, %dma_wait3A_61] : memref<12288x128xf32, #tpu.memory_space<hbm>> -> memref<12288x128xf32, #tpu.memory_space<hbm>>
    tpu.wait_indirect_dma semaphore(%arg7 : memref<!tpu.dma_semaphore, #tpu.memory_space<semaphore_mem>>) src(%dma_wait3A_56 : memref<128x128xf32, #tpu.memory_space<vmem>>) dst(%dma_wait3A_62 : memref<12288x128xf32, #tpu.memory_space<hbm>>)
    return
  }
}

module attributes {stable_mosaic.version = 14 : i64} {
  func.func @_cconv_body(%arg0: i32, %arg1: memref<896xi32, #tpu.memory_space<smem>>, %arg2: memref<896xi32, #tpu.memory_space<smem>>, %arg3: memref<896xi32, #tpu.memory_space<smem>>, %arg4: memref<896xi32, #tpu.memory_space<smem>>, %arg5: memref<896xi32, #tpu.memory_space<smem>>, %arg6: memref<128x8xf32, #tpu.memory_space<vmem>>, %arg7: memref<3x128xf32, #tpu.memory_space<vmem>>, %arg8: memref<128x128xf32, #tpu.memory_space<vmem>>, %arg9: memref<27x128x32xf32, #tpu.memory_space<vmem>>, %arg10: memref<1x32xf32, #tpu.memory_space<vmem>>, %arg11: memref<128x32xf32, #tpu.memory_space<vmem>>, %arg12: memref<3456x128xf32, #tpu.memory_space<vmem>>, %arg13: memref<128x1xf32, #tpu.memory_space<vmem>>) attributes {dimension_semantics = [#tpu.dimension_semantics<arbitrary>], iteration_bounds = array<i64: 896>, scalar_prefetch = 5 : i64, scratch_operands = 2 : i64, tpu.core_type = #tpu.core_type<tc>, window_params = [{transform_indices = @transform_0, window_bounds = array<i64: 128, 8>}, {transform_indices = @transform_1, window_bounds = array<i64: 3, 128>}, {transform_indices = @transform_2, window_bounds = array<i64: 128, 128>}, {pipeline_mode = #tpu.pipeline_mode<synchronous>, transform_indices = @transform_3, window_bounds = array<i64: 27, 128, 32>}, {pipeline_mode = #tpu.pipeline_mode<synchronous>, transform_indices = @transform_4, window_bounds = array<i64: 1, 32>}, {transform_indices = @transform_5, window_bounds = array<i64: 128, 32>}]} {
    %get3A = arith.index_cast %arg0 : i32 to index
    %get3A_0 = memref.load %arg3[%get3A] : memref<896xi32, #tpu.memory_space<smem>>
    %eq3A = arith.constant 1 : i32
    %eq3A_1 = arith.cmpi eq, %get3A_0, %eq3A : i32
    %convert_element_type3A = arith.extui %eq3A_1 : i1 to i32
    %cond3A = arith.constant 0 : i32
    %cond3A_2 = arith.cmpi ne, %convert_element_type3A, %cond3A : i32
    scf.if %cond3A_2 {
      %broadcast_in_dim3A = arith.constant 0.000000e+00 : f32
      %broadcast_in_dim3A_17 = vector.broadcast %broadcast_in_dim3A : f32 to vector<3456x128xf32>
      %swap3A = arith.constant 0 : index
      %swap3A_18 = arith.constant 0 : index
      %swap3A_19 = vector.load %arg12[%swap3A, %swap3A_18] : memref<3456x128xf32, #tpu.memory_space<vmem>>, vector<3456x128xf32>
      tpu.vector_store %arg12[%swap3A, %swap3A_18], %broadcast_in_dim3A_17 {strides = array<i32>} : memref<3456x128xf32, #tpu.memory_space<vmem>>, vector<3456x128xf32>,
      %broadcast_in_dim3A_20 = arith.constant 0.000000e+00 : f32
      %broadcast_in_dim3A_21 = vector.broadcast %broadcast_in_dim3A_20 : f32 to vector<128x1xf32>
      %swap3A_22 = arith.constant 0 : index
      %swap3A_23 = arith.constant 0 : index
      %swap3A_24 = vector.load %arg13[%swap3A_22, %swap3A_23] : memref<128x1xf32, #tpu.memory_space<vmem>>, vector<128x1xf32>
      tpu.vector_store %arg13[%swap3A_22, %swap3A_23], %broadcast_in_dim3A_21 {strides = array<i32>} : memref<128x1xf32, #tpu.memory_space<vmem>>, vector<128x1xf32>,
    } else {
    }
    %get3A_3 = arith.index_cast %arg0 : i32 to index
    %get3A_4 = memref.load %arg5[%get3A_3] : memref<896xi32, #tpu.memory_space<smem>>
    %eq3A_5 = arith.constant 1 : i32
    %eq3A_6 = arith.cmpi eq, %get3A_4, %eq3A_5 : i32
    %convert_element_type3A_7 = arith.extui %eq3A_6 : i1 to i32
    %cond3A_8 = arith.constant 0 : i32
    %cond3A_9 = arith.cmpi ne, %convert_element_type3A_7, %cond3A_8 : i32
    scf.if %cond3A_9 {
      %get3A_17 = arith.constant 0 : index
      %get3A_18 = arith.constant 0 : index
      %get3A_19 = vector.load %arg7[%get3A_17, %get3A_18] : memref<3x128xf32, #tpu.memory_space<vmem>>, vector<1x128xf32>
      %get3A_20 = arith.constant 0 : index
      %get3A_21 = arith.constant 0 : index
      %get3A_22 = vector.load %arg6[%get3A_20, %get3A_21] : memref<128x8xf32, #tpu.memory_space<vmem>>, vector<128x1xf32>
      %sub3A = vector.broadcast %get3A_19 : vector<1x128xf32> to vector<128x128xf32>
      %sub3A_23 = vector.broadcast %get3A_22 : vector<128x1xf32> to vector<128x128xf32>
      %sub3A_24 = arith.subf %sub3A, %sub3A_23 : vector<128x128xf32>
      %mul3A = arith.constant 11.1111107 : f32
      %mul3A_25 = vector.broadcast %mul3A : f32 to vector<128x128xf32>
      %mul3A_26 = arith.mulf %sub3A_24, %mul3A_25 : vector<128x128xf32>
      %get3A_27 = arith.constant 1 : index
      %get3A_28 = arith.constant 0 : index
      %get3A_29 = vector.load %arg7[%get3A_27, %get3A_28] : memref<3x128xf32, #tpu.memory_space<vmem>>, vector<1x128xf32>
      %get3A_30 = arith.constant 0 : index
      %get3A_31 = arith.constant 1 : index
      %get3A_32 = vector.load %arg6[%get3A_30, %get3A_31] : memref<128x8xf32, #tpu.memory_space<vmem>>, vector<128x1xf32>
      %sub3A_33 = vector.broadcast %get3A_29 : vector<1x128xf32> to vector<128x128xf32>
      %sub3A_34 = vector.broadcast %get3A_32 : vector<128x1xf32> to vector<128x128xf32>
      %sub3A_35 = arith.subf %sub3A_33, %sub3A_34 : vector<128x128xf32>
      %mul3A_36 = arith.constant 11.1111107 : f32
      %mul3A_37 = vector.broadcast %mul3A_36 : f32 to vector<128x128xf32>
      %mul3A_38 = arith.mulf %sub3A_35, %mul3A_37 : vector<128x128xf32>
      %get3A_39 = arith.constant 2 : index
      %get3A_40 = arith.constant 0 : index
      %get3A_41 = vector.load %arg7[%get3A_39, %get3A_40] : memref<3x128xf32, #tpu.memory_space<vmem>>, vector<1x128xf32>
      %get3A_42 = arith.constant 0 : index
      %get3A_43 = arith.constant 2 : index
      %get3A_44 = vector.load %arg6[%get3A_42, %get3A_43] : memref<128x8xf32, #tpu.memory_space<vmem>>, vector<128x1xf32>
      %sub3A_45 = vector.broadcast %get3A_41 : vector<1x128xf32> to vector<128x128xf32>
      %sub3A_46 = vector.broadcast %get3A_44 : vector<128x1xf32> to vector<128x128xf32>
      %sub3A_47 = arith.subf %sub3A_45, %sub3A_46 : vector<128x128xf32>
      %mul3A_48 = arith.constant 11.1111107 : f32
      %mul3A_49 = vector.broadcast %mul3A_48 : f32 to vector<128x128xf32>
      %mul3A_50 = arith.mulf %sub3A_47, %mul3A_49 : vector<128x128xf32>
      %mul3A_51 = arith.mulf %mul3A_26, %mul3A_26 : vector<128x128xf32>
      %mul3A_52 = arith.mulf %mul3A_38, %mul3A_38 : vector<128x128xf32>
      %add3A = arith.addf %mul3A_51, %mul3A_52 : vector<128x128xf32>
      %mul3A_53 = arith.mulf %mul3A_50, %mul3A_50 : vector<128x128xf32>
      %add3A_54 = arith.addf %add3A, %mul3A_53 : vector<128x128xf32>
      %le3A = arith.constant 1.000000e+00 : f32
      %le3A_55 = vector.broadcast %le3A : f32 to vector<128x128xf32>
      %le3A_56 = arith.cmpf ole, %add3A_54, %le3A_55 : vector<128x128xf32>
      %convert_element_type3A_57 = arith.extui %le3A_56 : vector<128x128xi1> to vector<128x128xi32>
      %convert_element_type3A_58 = arith.sitofp %convert_element_type3A_57 : vector<128x128xi32> to vector<128x128xf32>
      %max3A = arith.constant 9.99999993E-9 : f32
      %max3A_59 = vector.broadcast %max3A : f32 to vector<128x128xf32>
      %max3A_60 = arith.maximumf %add3A_54, %max3A_59 : vector<128x128xf32>
      %sqrt3A = math.sqrt %max3A_60 : vector<128x128xf32>
      %abs3A = math.absf %mul3A_26 : vector<128x128xf32>
      %abs3A_61 = math.absf %mul3A_38 : vector<128x128xf32>
      %max3A_62 = arith.maximumf %abs3A, %abs3A_61 : vector<128x128xf32>
      %abs3A_63 = math.absf %mul3A_50 : vector<128x128xf32>
      %max3A_64 = arith.constant 9.99999993E-9 : f32
      %max3A_65 = vector.broadcast %max3A_64 : f32 to vector<128x128xf32>
      %max3A_66 = arith.maximumf %abs3A_63, %max3A_65 : vector<128x128xf32>
      %max3A_67 = arith.maximumf %max3A_62, %max3A_66 : vector<128x128xf32>
      %gt3A = arith.constant 9.99999993E-9 : f32
      %gt3A_68 = vector.broadcast %gt3A : f32 to vector<128x128xf32>
      %gt3A_69 = arith.cmpf ogt, %add3A_54, %gt3A_68 : vector<128x128xf32>
      %div3A = arith.divf %sqrt3A, %max3A_67 : vector<128x128xf32>
      %jit3A = arith.constant 0.000000e+00 : f32
      %broadcast_in_dim3A = vector.broadcast %jit3A : f32 to vector<128x128xf32>
      %select_n3A = arith.select %gt3A_69, %div3A, %broadcast_in_dim3A : vector<128x128xi1>, vector<128x128xf32>
      %mul3A_70 = arith.mulf %mul3A_26, %select_n3A : vector<128x128xf32>
      %add3A_71 = arith.constant 1.000000e+00 : f32
      %add3A_72 = vector.broadcast %add3A_71 : f32 to vector<128x128xf32>
      %add3A_73 = arith.addf %mul3A_70, %add3A_72 : vector<128x128xf32>
      %mul3A_74 = arith.mulf %mul3A_38, %select_n3A : vector<128x128xf32>
      %add3A_75 = arith.constant 1.000000e+00 : f32
      %add3A_76 = vector.broadcast %add3A_75 : f32 to vector<128x128xf32>
      %add3A_77 = arith.addf %mul3A_74, %add3A_76 : vector<128x128xf32>
      %mul3A_78 = arith.mulf %mul3A_50, %select_n3A : vector<128x128xf32>
      %add3A_79 = arith.constant 1.000000e+00 : f32
      %add3A_80 = vector.broadcast %add3A_79 : f32 to vector<128x128xf32>
      %add3A_81 = arith.addf %mul3A_78, %add3A_80 : vector<128x128xf32>
      %sub3A_82 = arith.constant 0.000000e+00 : f32
      %sub3A_83 = vector.broadcast %sub3A_82 : f32 to vector<128x128xf32>
      %sub3A_84 = arith.subf %add3A_73, %sub3A_83 : vector<128x128xf32>
      %abs3A_85 = math.absf %sub3A_84 : vector<128x128xf32>
      %sub3A_86 = arith.constant 1.000000e+00 : f32
      %sub3A_87 = vector.broadcast %sub3A_86 : f32 to vector<128x128xf32>
      %sub3A_88 = arith.subf %sub3A_87, %abs3A_85 : vector<128x128xf32>
      %max3A_89 = arith.constant 0.000000e+00 : f32
      %max3A_90 = vector.broadcast %max3A_89 : f32 to vector<128x128xf32>
      %max3A_91 = arith.maximumf %sub3A_88, %max3A_90 : vector<128x128xf32>
      %sub3A_92 = arith.constant 1.000000e+00 : f32
      %sub3A_93 = vector.broadcast %sub3A_92 : f32 to vector<128x128xf32>
      %sub3A_94 = arith.subf %add3A_73, %sub3A_93 : vector<128x128xf32>
      %abs3A_95 = math.absf %sub3A_94 : vector<128x128xf32>
      %sub3A_96 = arith.constant 1.000000e+00 : f32
      %sub3A_97 = vector.broadcast %sub3A_96 : f32 to vector<128x128xf32>
      %sub3A_98 = arith.subf %sub3A_97, %abs3A_95 : vector<128x128xf32>
      %max3A_99 = arith.constant 0.000000e+00 : f32
      %max3A_100 = vector.broadcast %max3A_99 : f32 to vector<128x128xf32>
      %max3A_101 = arith.maximumf %sub3A_98, %max3A_100 : vector<128x128xf32>
      %sub3A_102 = arith.constant 2.000000e+00 : f32
      %sub3A_103 = vector.broadcast %sub3A_102 : f32 to vector<128x128xf32>
      %sub3A_104 = arith.subf %add3A_73, %sub3A_103 : vector<128x128xf32>
      %abs3A_105 = math.absf %sub3A_104 : vector<128x128xf32>
      %sub3A_106 = arith.constant 1.000000e+00 : f32
      %sub3A_107 = vector.broadcast %sub3A_106 : f32 to vector<128x128xf32>
      %sub3A_108 = arith.subf %sub3A_107, %abs3A_105 : vector<128x128xf32>
      %max3A_109 = arith.constant 0.000000e+00 : f32
      %max3A_110 = vector.broadcast %max3A_109 : f32 to vector<128x128xf32>
      %max3A_111 = arith.maximumf %sub3A_108, %max3A_110 : vector<128x128xf32>
      %sub3A_112 = arith.constant 0.000000e+00 : f32
      %sub3A_113 = vector.broadcast %sub3A_112 : f32 to vector<128x128xf32>
      %sub3A_114 = arith.subf %add3A_77, %sub3A_113 : vector<128x128xf32>
      %abs3A_115 = math.absf %sub3A_114 : vector<128x128xf32>
      %sub3A_116 = arith.constant 1.000000e+00 : f32
      %sub3A_117 = vector.broadcast %sub3A_116 : f32 to vector<128x128xf32>
      %sub3A_118 = arith.subf %sub3A_117, %abs3A_115 : vector<128x128xf32>
      %max3A_119 = arith.constant 0.000000e+00 : f32
      %max3A_120 = vector.broadcast %max3A_119 : f32 to vector<128x128xf32>
      %max3A_121 = arith.maximumf %sub3A_118, %max3A_120 : vector<128x128xf32>
      %sub3A_122 = arith.constant 1.000000e+00 : f32
      %sub3A_123 = vector.broadcast %sub3A_122 : f32 to vector<128x128xf32>
      %sub3A_124 = arith.subf %add3A_77, %sub3A_123 : vector<128x128xf32>
      %abs3A_125 = math.absf %sub3A_124 : vector<128x128xf32>
      %sub3A_126 = arith.constant 1.000000e+00 : f32
      %sub3A_127 = vector.broadcast %sub3A_126 : f32 to vector<128x128xf32>
      %sub3A_128 = arith.subf %sub3A_127, %abs3A_125 : vector<128x128xf32>
      %max3A_129 = arith.constant 0.000000e+00 : f32
      %max3A_130 = vector.broadcast %max3A_129 : f32 to vector<128x128xf32>
      %max3A_131 = arith.maximumf %sub3A_128, %max3A_130 : vector<128x128xf32>
      %sub3A_132 = arith.constant 2.000000e+00 : f32
      %sub3A_133 = vector.broadcast %sub3A_132 : f32 to vector<128x128xf32>
      %sub3A_134 = arith.subf %add3A_77, %sub3A_133 : vector<128x128xf32>
      %abs3A_135 = math.absf %sub3A_134 : vector<128x128xf32>
      %sub3A_136 = arith.constant 1.000000e+00 : f32
      %sub3A_137 = vector.broadcast %sub3A_136 : f32 to vector<128x128xf32>
      %sub3A_138 = arith.subf %sub3A_137, %abs3A_135 : vector<128x128xf32>
      %max3A_139 = arith.constant 0.000000e+00 : f32
      %max3A_140 = vector.broadcast %max3A_139 : f32 to vector<128x128xf32>
      %max3A_141 = arith.maximumf %sub3A_138, %max3A_140 : vector<128x128xf32>
      %sub3A_142 = arith.constant 0.000000e+00 : f32
      %sub3A_143 = vector.broadcast %sub3A_142 : f32 to vector<128x128xf32>
      %sub3A_144 = arith.subf %add3A_81, %sub3A_143 : vector<128x128xf32>
      %abs3A_145 = math.absf %sub3A_144 : vector<128x128xf32>
      %sub3A_146 = arith.constant 1.000000e+00 : f32
      %sub3A_147 = vector.broadcast %sub3A_146 : f32 to vector<128x128xf32>
      %sub3A_148 = arith.subf %sub3A_147, %abs3A_145 : vector<128x128xf32>
      %max3A_149 = arith.constant 0.000000e+00 : f32
      %max3A_150 = vector.broadcast %max3A_149 : f32 to vector<128x128xf32>
      %max3A_151 = arith.maximumf %sub3A_148, %max3A_150 : vector<128x128xf32>
      %sub3A_152 = arith.constant 1.000000e+00 : f32
      %sub3A_153 = vector.broadcast %sub3A_152 : f32 to vector<128x128xf32>
      %sub3A_154 = arith.subf %add3A_81, %sub3A_153 : vector<128x128xf32>
      %abs3A_155 = math.absf %sub3A_154 : vector<128x128xf32>
      %sub3A_156 = arith.constant 1.000000e+00 : f32
      %sub3A_157 = vector.broadcast %sub3A_156 : f32 to vector<128x128xf32>
      %sub3A_158 = arith.subf %sub3A_157, %abs3A_155 : vector<128x128xf32>
      %max3A_159 = arith.constant 0.000000e+00 : f32
      %max3A_160 = vector.broadcast %max3A_159 : f32 to vector<128x128xf32>
      %max3A_161 = arith.maximumf %sub3A_158, %max3A_160 : vector<128x128xf32>
      %sub3A_162 = arith.constant 2.000000e+00 : f32
      %sub3A_163 = vector.broadcast %sub3A_162 : f32 to vector<128x128xf32>
      %sub3A_164 = arith.subf %add3A_81, %sub3A_163 : vector<128x128xf32>
      %abs3A_165 = math.absf %sub3A_164 : vector<128x128xf32>
      %sub3A_166 = arith.constant 1.000000e+00 : f32
      %sub3A_167 = vector.broadcast %sub3A_166 : f32 to vector<128x128xf32>
      %sub3A_168 = arith.subf %sub3A_167, %abs3A_165 : vector<128x128xf32>
      %max3A_169 = arith.constant 0.000000e+00 : f32
      %max3A_170 = vector.broadcast %max3A_169 : f32 to vector<128x128xf32>
      %max3A_171 = arith.maximumf %sub3A_168, %max3A_170 : vector<128x128xf32>
      %mul3A_172 = arith.mulf %max3A_91, %convert_element_type3A_58 : vector<128x128xf32>
      %mul3A_173 = arith.mulf %mul3A_172, %max3A_121 : vector<128x128xf32>
      %mul3A_174 = arith.mulf %mul3A_173, %max3A_151 : vector<128x128xf32>
      %mul3A_175 = arith.mulf %mul3A_173, %max3A_161 : vector<128x128xf32>
      %mul3A_176 = arith.mulf %mul3A_173, %max3A_171 : vector<128x128xf32>
      %mul3A_177 = arith.mulf %mul3A_172, %max3A_131 : vector<128x128xf32>
      %mul3A_178 = arith.mulf %mul3A_177, %max3A_151 : vector<128x128xf32>
      %mul3A_179 = arith.mulf %mul3A_177, %max3A_161 : vector<128x128xf32>
      %mul3A_180 = arith.mulf %mul3A_177, %max3A_171 : vector<128x128xf32>
      %mul3A_181 = arith.mulf %mul3A_172, %max3A_141 : vector<128x128xf32>
      %mul3A_182 = arith.mulf %mul3A_181, %max3A_151 : vector<128x128xf32>
      %mul3A_183 = arith.mulf %mul3A_181, %max3A_161 : vector<128x128xf32>
      %mul3A_184 = arith.mulf %mul3A_181, %max3A_171 : vector<128x128xf32>
      %mul3A_185 = arith.mulf %max3A_101, %convert_element_type3A_58 : vector<128x128xf32>
      %mul3A_186 = arith.mulf %mul3A_185, %max3A_121 : vector<128x128xf32>
      %mul3A_187 = arith.mulf %mul3A_186, %max3A_151 : vector<128x128xf32>
      %mul3A_188 = arith.mulf %mul3A_186, %max3A_161 : vector<128x128xf32>
      %mul3A_189 = arith.mulf %mul3A_186, %max3A_171 : vector<128x128xf32>
      %mul3A_190 = arith.mulf %mul3A_185, %max3A_131 : vector<128x128xf32>
      %mul3A_191 = arith.mulf %mul3A_190, %max3A_151 : vector<128x128xf32>
      %mul3A_192 = arith.mulf %mul3A_190, %max3A_161 : vector<128x128xf32>
      %mul3A_193 = arith.mulf %mul3A_190, %max3A_171 : vector<128x128xf32>
      %mul3A_194 = arith.mulf %mul3A_185, %max3A_141 : vector<128x128xf32>
      %mul3A_195 = arith.mulf %mul3A_194, %max3A_151 : vector<128x128xf32>
      %mul3A_196 = arith.mulf %mul3A_194, %max3A_161 : vector<128x128xf32>
      %mul3A_197 = arith.mulf %mul3A_194, %max3A_171 : vector<128x128xf32>
      %mul3A_198 = arith.mulf %max3A_111, %convert_element_type3A_58 : vector<128x128xf32>
      %mul3A_199 = arith.mulf %mul3A_198, %max3A_121 : vector<128x128xf32>
      %mul3A_200 = arith.mulf %mul3A_199, %max3A_151 : vector<128x128xf32>
      %mul3A_201 = arith.mulf %mul3A_199, %max3A_161 : vector<128x128xf32>
      %mul3A_202 = arith.mulf %mul3A_199, %max3A_171 : vector<128x128xf32>
      %mul3A_203 = arith.mulf %mul3A_198, %max3A_131 : vector<128x128xf32>
      %mul3A_204 = arith.mulf %mul3A_203, %max3A_151 : vector<128x128xf32>
      %mul3A_205 = arith.mulf %mul3A_203, %max3A_161 : vector<128x128xf32>
      %mul3A_206 = arith.mulf %mul3A_203, %max3A_171 : vector<128x128xf32>
      %mul3A_207 = arith.mulf %mul3A_198, %max3A_141 : vector<128x128xf32>
      %mul3A_208 = arith.mulf %mul3A_207, %max3A_151 : vector<128x128xf32>
      %mul3A_209 = arith.mulf %mul3A_207, %max3A_161 : vector<128x128xf32>
      %mul3A_210 = arith.mulf %mul3A_207, %max3A_171 : vector<128x128xf32>
      %concatenate3A = tpu.concatenate %mul3A_174, %mul3A_175, %mul3A_176, %mul3A_178, %mul3A_179, %mul3A_180, %mul3A_182, %mul3A_183, %mul3A_184, %mul3A_187, %mul3A_188, %mul3A_189, %mul3A_191, %mul3A_192, %mul3A_193, %mul3A_195, %mul3A_196, %mul3A_197, %mul3A_200, %mul3A_201, %mul3A_202, %mul3A_204, %mul3A_205, %mul3A_206, %mul3A_208, %mul3A_209, %mul3A_210 in 0 : vector<128x128xf32>, vector<128x128xf32>, vector<128x128xf32>, vector<128x128xf32>, vector<128x128xf32>, vector<128x128xf32>, vector<128x128xf32>, vector<128x128xf32>, vector<128x128xf32>, vector<128x128xf32>, vector<128x128xf32>, vector<128x128xf32>, vector<128x128xf32>, vector<128x128xf32>, vector<128x128xf32>, vector<128x128xf32>, vector<128x128xf32>, vector<128x128xf32>, vector<128x128xf32>, vector<128x128xf32>, vector<128x128xf32>, vector<128x128xf32>, vector<128x128xf32>, vector<128x128xf32>, vector<128x128xf32>, vector<128x128xf32>, vector<128x128xf32> -> vector<3456x128xf32>
      %get3A_211 = arith.constant 0 : index
      %get3A_212 = arith.constant 0 : index
      %get3A_213 = vector.load %arg12[%get3A_211, %get3A_212] : memref<3456x128xf32, #tpu.memory_space<vmem>>, vector<3456x128xf32>
      %get3A_214 = arith.constant 0 : index
      %get3A_215 = arith.constant 0 : index
      %get3A_216 = vector.load %arg8[%get3A_214, %get3A_215] : memref<128x128xf32, #tpu.memory_space<vmem>>, vector<128x128xf32>
      %dot_general3A = arith.constant dense<0.000000e+00> : vector<3456x128xf32>
      %dot_general3A_217 = tpu.matmul %concatenate3A, %get3A_216, %dot_general3A {dimension_numbers = #tpu.dot_dimension_numbers<[1], [0], [0], [1], [0, 0, 1, 1], [], []>, transpose_lhs_hint = false} : vector<3456x128xf32>, vector<128x128xf32>, vector<3456x128xf32> -> vector<3456x128xf32>
      %add3A_218 = arith.addf %get3A_213, %dot_general3A_217 : vector<3456x128xf32>
      %swap3A = arith.constant 0 : index
      %swap3A_219 = arith.constant 0 : index
      %swap3A_220 = vector.load %arg12[%swap3A, %swap3A_219] : memref<3456x128xf32, #tpu.memory_space<vmem>>, vector<3456x128xf32>
      tpu.vector_store %arg12[%swap3A, %swap3A_219], %add3A_218 {strides = array<i32>} : memref<3456x128xf32, #tpu.memory_space<vmem>>, vector<3456x128xf32>,
      %get3A_221 = arith.constant 0 : index
      %get3A_222 = arith.constant 0 : index
      %get3A_223 = vector.load %arg13[%get3A_221, %get3A_222] : memref<128x1xf32, #tpu.memory_space<vmem>>, vector<128x1xf32>
      %reduce_sum3A = arith.constant dense<0.000000e+00> : vector<128xf32>
      %reduce_sum3A_224 = vector.multi_reduction <add>, %convert_element_type3A_58, %reduce_sum3A [1] : vector<128x128xf32> to vector<128xf32>
      %broadcast_in_dim3A_225 = vector.shape_cast %reduce_sum3A_224 : vector<128xf32> to vector<128x1xf32>
      %add3A_226 = arith.addf %get3A_223, %broadcast_in_dim3A_225 : vector<128x1xf32>
      %swap3A_227 = arith.constant 0 : index
      %swap3A_228 = arith.constant 0 : index
      %swap3A_229 = vector.load %arg13[%swap3A_227, %swap3A_228] : memref<128x1xf32, #tpu.memory_space<vmem>>, vector<128x1xf32>
      tpu.vector_store %arg13[%swap3A_227, %swap3A_228], %add3A_226 {strides = array<i32>} : memref<128x1xf32, #tpu.memory_space<vmem>>, vector<128x1xf32>,
    } else {
    }
    %get3A_10 = arith.index_cast %arg0 : i32 to index
    %get3A_11 = memref.load %arg4[%get3A_10] : memref<896xi32, #tpu.memory_space<smem>>
    %eq3A_12 = arith.constant 1 : i32
    %eq3A_13 = arith.cmpi eq, %get3A_11, %eq3A_12 : i32
    %convert_element_type3A_14 = arith.extui %eq3A_13 : i1 to i32
    %cond3A_15 = arith.constant 0 : i32
    %cond3A_16 = arith.cmpi ne, %convert_element_type3A_14, %cond3A_15 : i32
    scf.if %cond3A_16 {
      %get3A_17 = arith.constant 0 : index
      %get3A_18 = arith.constant 0 : index
      %get3A_19 = vector.load %arg12[%get3A_17, %get3A_18] : memref<3456x128xf32, #tpu.memory_space<vmem>>, vector<3456x128xf32>
      %reshape3A = vector.shape_cast %get3A_19 : vector<3456x128xf32> to vector<27x128x128xf32>
      %get3A_20 = arith.constant 0 : index
      %get3A_21 = arith.constant 0 : index
      %get3A_22 = arith.constant 0 : index
      %get3A_23 = vector.load %arg9[%get3A_20, %get3A_21, %get3A_22] : memref<27x128x32xf32, #tpu.memory_space<vmem>>, vector<27x128x32xf32>
      %dot_general3A = arith.constant dense<0.000000e+00> : vector<27x128x32xf32>
      %dot_general3A_24 = tpu.matmul %reshape3A, %get3A_23, %dot_general3A {dimension_numbers = #tpu.dot_dimension_numbers<[2], [1], [1], [2], [0, 0, 0, 1, 1, 2], [0], [0]>, transpose_lhs_hint = false} : vector<27x128x128xf32>, vector<27x128x32xf32>, vector<27x128x32xf32> -> vector<27x128x32xf32>
      %reduce_sum3A = arith.constant dense<0.000000e+00> : vector<128x32xf32>
      %reduce_sum3A_25 = vector.multi_reduction <add>, %dot_general3A_24, %reduce_sum3A [0] : vector<27x128x32xf32> to vector<128x32xf32>
      %get3A_26 = arith.constant 0 : index
      %get3A_27 = arith.constant 0 : index
      %get3A_28 = vector.load %arg13[%get3A_26, %get3A_27] : memref<128x1xf32, #tpu.memory_space<vmem>>, vector<128x1xf32>
      %max3A = arith.constant 1.000000e+00 : f32
      %max3A_29 = vector.broadcast %max3A : f32 to vector<128x1xf32>
      %max3A_30 = arith.maximumf %get3A_28, %max3A_29 : vector<128x1xf32>
      %div3A = vector.broadcast %max3A_30 : vector<128x1xf32> to vector<128x32xf32>
      %div3A_31 = arith.divf %reduce_sum3A_25, %div3A : vector<128x32xf32>
      %get3A_32 = arith.constant 0 : index
      %get3A_33 = arith.constant 0 : index
      %get3A_34 = vector.load %arg10[%get3A_32, %get3A_33] : memref<1x32xf32, #tpu.memory_space<vmem>>, vector<1x32xf32>
      %add3A = vector.broadcast %get3A_34 : vector<1x32xf32> to vector<128x32xf32>
      %add3A_35 = arith.addf %div3A_31, %add3A : vector<128x32xf32>
      %swap3A = arith.constant 0 : index
      %swap3A_36 = arith.constant 0 : index
      %swap3A_37 = vector.load %arg11[%swap3A, %swap3A_36] : memref<128x32xf32, #tpu.memory_space<vmem>>, vector<128x32xf32>
      tpu.vector_store %arg11[%swap3A, %swap3A_36], %add3A_35 {strides = array<i32>} : memref<128x32xf32, #tpu.memory_space<vmem>>, vector<128x32xf32>,
    } else {
    }
    return
  }
  func.func @transform_0(%arg0: i32, %arg1: memref<896xi32, #tpu.memory_space<smem>>, %arg2: memref<896xi32, #tpu.memory_space<smem>>, %arg3: memref<896xi32, #tpu.memory_space<smem>>, %arg4: memref<896xi32, #tpu.memory_space<smem>>, %arg5: memref<896xi32, #tpu.memory_space<smem>>) -> (i32, i32) {
    %get3A = arith.index_cast %arg0 : i32 to index
    %get3A_0 = memref.load %arg1[%get3A] : memref<896xi32, #tpu.memory_space<smem>>
    %c0_i32 = arith.constant 0 : i32
    %c0_i32_1 = arith.constant 0 : i32
    return %get3A_0, %c0_i32 : i32, i32
  }
  func.func @transform_1(%arg0: i32, %arg1: memref<896xi32, #tpu.memory_space<smem>>, %arg2: memref<896xi32, #tpu.memory_space<smem>>, %arg3: memref<896xi32, #tpu.memory_space<smem>>, %arg4: memref<896xi32, #tpu.memory_space<smem>>, %arg5: memref<896xi32, #tpu.memory_space<smem>>) -> (i32, i32) {
    %get3A = arith.index_cast %arg0 : i32 to index
    %get3A_0 = memref.load %arg2[%get3A] : memref<896xi32, #tpu.memory_space<smem>>
    %c0_i32 = arith.constant 0 : i32
    %c0_i32_1 = arith.constant 0 : i32
    return %c0_i32, %get3A_0 : i32, i32
  }
  func.func @transform_2(%arg0: i32, %arg1: memref<896xi32, #tpu.memory_space<smem>>, %arg2: memref<896xi32, #tpu.memory_space<smem>>, %arg3: memref<896xi32, #tpu.memory_space<smem>>, %arg4: memref<896xi32, #tpu.memory_space<smem>>, %arg5: memref<896xi32, #tpu.memory_space<smem>>) -> (i32, i32) {
    %get3A = arith.index_cast %arg0 : i32 to index
    %get3A_0 = memref.load %arg2[%get3A] : memref<896xi32, #tpu.memory_space<smem>>
    %c0_i32 = arith.constant 0 : i32
    %c0_i32_1 = arith.constant 0 : i32
    return %get3A_0, %c0_i32 : i32, i32
  }
  func.func @transform_3(%arg0: i32, %arg1: memref<896xi32, #tpu.memory_space<smem>>, %arg2: memref<896xi32, #tpu.memory_space<smem>>, %arg3: memref<896xi32, #tpu.memory_space<smem>>, %arg4: memref<896xi32, #tpu.memory_space<smem>>, %arg5: memref<896xi32, #tpu.memory_space<smem>>) -> (i32, i32, i32) {
    %c0_i32 = arith.constant 0 : i32
    %c0_i32_0 = arith.constant 0 : i32
    %c0_i32_1 = arith.constant 0 : i32
    %c0_i32_2 = arith.constant 0 : i32
    return %c0_i32, %c0_i32_0, %c0_i32_1 : i32, i32, i32
  }
  func.func @transform_4(%arg0: i32, %arg1: memref<896xi32, #tpu.memory_space<smem>>, %arg2: memref<896xi32, #tpu.memory_space<smem>>, %arg3: memref<896xi32, #tpu.memory_space<smem>>, %arg4: memref<896xi32, #tpu.memory_space<smem>>, %arg5: memref<896xi32, #tpu.memory_space<smem>>) -> (i32, i32) {
    %c0_i32 = arith.constant 0 : i32
    %c0_i32_0 = arith.constant 0 : i32
    %c0_i32_1 = arith.constant 0 : i32
    return %c0_i32, %c0_i32_0 : i32, i32
  }
  func.func @transform_5(%arg0: i32, %arg1: memref<896xi32, #tpu.memory_space<smem>>, %arg2: memref<896xi32, #tpu.memory_space<smem>>, %arg3: memref<896xi32, #tpu.memory_space<smem>>, %arg4: memref<896xi32, #tpu.memory_space<smem>>, %arg5: memref<896xi32, #tpu.memory_space<smem>>) -> (i32, i32) {
    %get3A = arith.index_cast %arg0 : i32 to index
    %get3A_0 = memref.load %arg1[%get3A] : memref<896xi32, #tpu.memory_space<smem>>
    %c0_i32 = arith.constant 0 : i32
    %c0_i32_1 = arith.constant 0 : i32
    return %get3A_0, %c0_i32 : i32, i32
  }
}

</mosaic_0001>

<sc_bundles>
// kernel: kernel.5.cloned.1.call-start
scs
__scs_entry_jumppad:
0x0: {  	(pc) =	sbr.rel $0x88, $3  }
0x1: {  	(tag) =	ssettag $0x0;
	lr =	simm.s32 $0x1  }
0x2: {  	[smem:$0x3F9D] =	sst lr;
	_ =	strace $0xD0000000  }
0x3: {  	_ = 	snop  }
0x4: {  	_ = 	snop  }
0x5: {  	_ = 	snop  }
0x6: {  	_ = 	snop  }
0x7: {  	_ = 	snop  }
__scs_overlays_trampoline_lowered:
0x8: {  	[smem:$0x3FAC] =	sst s0  }
0x9: {  	[smem:$0x3FAD] =	sst s1  }
0xa: {  	[smem:$0x3FAE] =	sst s2  }
0xb: {  	[smem:$0x3FAF] =	sst s3  }
0xc: {  	[smem:$0x3FB0] =	sst s4  }
0xd: {  	[smem:$0x3FB1] =	sst s5  }
0xe: {  	[smem:$0x3FB2] =	sst s6  }
0xf: {  	[smem:$0x3FB3] =	sst s7  }
0x10: {  	[smem:$0x3FB4] =	sst s8  }
0x11: {  	[smem:$0x3FB5] =	sst s9;
	s0 =	simm.s32 @!p0 $0x0  }
0x12: {  	s1 =	sld [smem:$0x3F9B];
	s0 =	simm.s32 @p0 $0x1  }
0x13: {  	[smem:$0x3FB6] =	sst s0;
	s0 =	simm.s32 @!p1 $0x0  }
0x14: {  	s2 =	sld [smem:$0x3F9A];
	s0 =	simm.s32 @p1 $0x1  }
0x15: {  	[smem:$0x3FB7] =	sst s0;
	s0 =	simm.s32 @!p2 $0x0  }
0x16: {  	s3 =	sld [smem:$0x3FDB];
	s0 =	simm.s32 @p2 $0x1  }
0x17: {  	s4 =	simm.s32 $0x1BF5;
	[smem:$0x3FB9] =	sst s0  }
0x18: {  	s0 =	sld [smem:$0x3F9C];
	_ =	swait.ge [sflag:s4], $0x0  }
0x19: {  	s7 =	sld [smem:$0x3F9D]  }
0x1a: {  	s8 =	sadd.s32 $0xFFFFE003, lr  }
0x1b: {  	s9 =	sadd.s32 $0xFFFFFEF7, lr;
	s5 =	simm.s32 $0xFFFFFFFF;
	p2 =	slt.u32 s8, $0xFFFFF086  }
0x1c: {  	p1 =	slt.u32 s9, $0xF7A;
	s5 =	simm.s32 @!p2 $0x0  }
0x1d: {  	s5 =	simm.s32 @p1 $0x1;
	p0 =	seq.s32 s7, s2  }
0x1e: {  	s7 =	smul.u32 @!p0 $0xF7A, s2;
	p2 =	seq.s32 @!p0 s5, $0x0  }
0x1f: {  	s9 =	smul.u32 $0xF7A, s1;
	s8 =	simm.s32 @!p0 $0x1BF5;
	p2 =	por !p2, p0  }
0x20: {  	[sflag:s8] =	ssyncset.s32 @!p0 $0xFFFFF086;
	s6 =	sadd.s32 @!p0 s3, s7;
	s7 =	simm.s32 @!p0 $0x108  }
0x21: {  	s3 =	sadd.s32 s3, s9;
	s6 =	sadd.s32 @!p0 $0x88, s6;
	s7 =	simm.s32 @p2 $0x1082  }
0x22: {  	[simem:s7], [sflag:s8] =	dma.local @!p0 [hbm:s6], $0xF7A  }
0x23: {  	s9 =	sor.u32 $0xD0000000, s2;
	s6 =	simm.s32 $0x108;
	_ =	swait.ge @!p0 [sflag:s8], $0x0  }
0x24: {  	s3 =	sadd.s32 $0x88, s3;
	s6 =	simm.s32 @!p1 $0x1082;
	[sflag:s4] =	ssyncset.s32 $0xFFFFF086  }
0x25: {  	[simem:s6], [sflag:s4] =	dma.local [hbm:s3], $0xF7A  }
0x26: {  	[smem:$0x3F9D] =	sst s1;
	(tag) =	ssettag s2;
	_ =	strace s9  }
0x27: {  	s1 =	sld [smem:$0x3FAD]  }
0x28: {  	s2 =	sld [smem:$0x3FAE]  }
0x29: {  	s4 =	sld [smem:$0x3FB0]  }
0x2a: {  	p0 =	seq.s32 s5, $0x0;
	s5 =	sld [smem:$0x3FB1]  }
0x2b: {  	s6 =	sld [smem:$0x3FB2]  }
0x2c: {  	s7 =	sld [smem:$0x3FB3]  }
0x2d: {  	s3 =	simm.s32 $0x108;
	s8 =	sld [smem:$0x3FB4]  }
0x2e: {  	s3 =	simm.s32 @!p0 $0x1082;
	s9 =	sld [smem:$0x3FB5]  }
0x2f: {  	lr =	sadd.s32 s0, s3;
	s0 =	sld [smem:$0x3FAC]  }
0x30: {  	s3 =	sld [smem:$0x3FAF]  }
0x31: {  	[smem:$0x3FB8] =	sst s10  }
0x32: {  	s10 =	sld [smem:$0x3FB6];
	_ =	sdelay $0x3  }
0x33: {  	p0 =	seq.s32 s10, $0x1;
	s10 =	sld [smem:$0x3FB8];
	_ =	sdelay $0x3  }
0x34: {  	[smem:$0x3FB8] =	sst s10  }
0x35: {  	s10 =	sld [smem:$0x3FB7];
	_ =	sdelay $0x3  }
0x36: {  	p1 =	seq.s32 s10, $0x1;
	s10 =	sld [smem:$0x3FB8];
	_ =	sdelay $0x3  }
0x37: {  	[smem:$0x3FB8] =	sst s10  }
0x38: {  	s10 =	sld [smem:$0x3FB9]  }
0x39: {  	_ = 	snop;
	(pc) =	sbr.ind lr, $3  }
0x3a: {  	_ = 	snop  }
0x3b: {  	_ = 	snop  }
0x3c: {  	p2 =	seq.s32 s10, $0x1;
	s10 =	sld [smem:$0x3FB8]  }
0x3d: {  	_ =	shalt  }
0x3e: {  	_ =	shalt  }
0x3f: {  	_ =	shalt  }
0x40: {  	_ =	shalt  }
0x41: {  	_ =	shalt  }
0x42: {  	_ =	shalt  }
0x43: {  	_ =	shalt  }
0x44: {  	_ =	shalt  }
0x45: {  	_ =	shalt  }
0x46: {  	_ =	shalt  }
0x47: {  	_ =	shalt  }
0x48: {  	_ =	shalt  }
0x49: {  	_ =	shalt  }
0x4a: {  	_ =	shalt  }
0x4b: {  	_ =	shalt  }
0x4c: {  	_ =	shalt  }
0x4d: {  	_ =	shalt  }
0x4e: {  	_ =	shalt  }
0x4f: {  	_ =	shalt  }
0x50: {  	_ =	shalt  }
0x51: {  	_ =	shalt  }
0x52: {  	_ =	shalt  }
0x53: {  	_ =	shalt  }
0x54: {  	_ =	shalt  }
0x55: {  	_ =	shalt  }
0x56: {  	_ =	shalt  }
0x57: {  	_ =	shalt  }
0x58: {  	_ =	shalt  }
0x59: {  	_ =	shalt  }
0x5a: {  	_ =	shalt  }
0x5b: {  	_ =	shalt  }
0x5c: {  	_ =	shalt  }
0x5d: {  	_ =	shalt  }
0x5e: {  	_ =	shalt  }
0x5f: {  	_ =	shalt  }
0x60: {  	_ =	shalt  }
0x61: {  	_ =	shalt  }
0x62: {  	_ =	shalt  }
0x63: {  	_ =	shalt  }
0x64: {  	_ =	shalt  }
0x65: {  	_ =	shalt  }
0x66: {  	_ =	shalt  }
0x67: {  	_ =	shalt  }
0x68: {  	_ =	shalt  }
0x69: {  	_ =	shalt  }
0x6a: {  	_ =	shalt  }
0x6b: {  	_ =	shalt  }
0x6c: {  	_ =	shalt  }
0x6d: {  	_ =	shalt  }
0x6e: {  	_ =	shalt  }
0x6f: {  	_ =	shalt  }
0x70: {  	_ =	shalt  }
0x71: {  	_ =	shalt  }
0x72: {  	_ =	shalt  }
0x73: {  	_ =	shalt  }
0x74: {  	_ =	shalt  }
0x75: {  	_ =	shalt  }
0x76: {  	_ =	shalt  }
0x77: {  	_ =	shalt  }
0x78: {  	_ =	shalt  }
0x79: {  	_ =	shalt  }
0x7a: {  	_ =	shalt  }
0x7b: {  	_ =	shalt  }
0x7c: {  	_ =	shalt  }
0x7d: {  	_ =	shalt  }
0x7e: {  	_ =	shalt  }
0x7f: {  	_ =	shalt  }
0x80: {  	_ =	shalt  }
0x81: {  	_ =	shalt  }
0x82: {  	_ =	shalt  }
0x83: {  	_ =	shalt  }
0x84: {  	_ =	shalt  }
0x85: {  	_ =	shalt  }
0x86: {  	_ =	shalt  }
0x87: {  	_ =	shalt  }
.Lfunc_end0:
.L_simem_size_0:
called_computation_lowered:
.L_overlay_start_0:
0x88: {  	s2 =	sld [smem:$0x3FD9]  }
0x89: {  	s3 =	sld [smem:$0x3FFE];
	_ =	sdelay $0x1  }
0x8a: {  	s1 =	srdreg.scid  }
0x8b: {  	s0 =	sand.u32 $0x1, s1  }
0x8c: {  	s17 =	sshll.u32 s0, $0xA;
	s2 =	sadd.s32 s3, s2  }
0x8d: {  	s2 =	sadd.s32 s2, s17  }
0x8e: {  	[smem:$0x3FC4] =	sst s2  }
0x8f: {  	_ = 	snop  }
0x90: {  	s2 =	sld [smem:$0x3FD0];
	(tm) =	ssettm $0x1  }
0x91: {  	s18 =	sld [smem:$0x3FFB];
	_ =	sdelay $0x3  }
0x92: {  	_ =	strace s18  }
0x93: {  	s3 =	sld [smem:$0x3FFC];
	_ =	sdelay $0x3  }
0x94: {  	_ =	strace s3  }
0x95: {  	s3 =	sld [smem:$0x3FFD];
	_ =	sdelay $0x3  }
0x96: {  	_ =	strace s3  }
0x97: {  	_ =	strace $0x8FFFFFFF  }
0x98: {  	s19 =	sld [smem:$0x3FDB];
	_ =	sdelay $0x1  }
0x99: {  	s4 =	simm.s32 $_scs_section_size  }
0x9a: {  	s5 =	simm.s32 $_size__tile_overlayer_lowered;
	s6 =	simm.s32 $_tile_overlayer_lowered  }
0x9b: {  	s22 =	simm.s32 $0x1BFF;
	s21 =	sshll.u32 s6, $0x1;
	s3 =	sadd.s32 s4, s19  }
0x9c: {  	s7 =	simm.s32 $0x0;
	s20 =	sshll.u32 s5, $0x1;
	s5 =	sadd.s32 s21, s3  }
0x9d: {  	[timem:s7], [sflag:s22] =	dma.local [hbm:s5], s20  }
0x9e: {  	_ =	swait.ge [sflag:s22], s20  }
0x9f: {  	s4 =	ssub.s32 $0x0, s20;
	[sflag:s22] =	ssyncset.done $0x0  }
0xa0: {  	[sflag:s22] =	ssyncadd.s32 s4;
	_ =	sdelay $0x1  }
0xa1: {  	s23 =	simm.s32 $0x1B8B  }
0xa2: {  	_ =	swait.ge [sflag:s23], $0x1  }
0xa3: {  	[sflag:s23] =	ssyncset.done $0x0  }
0xa4: {  	s25 =	simm.s32 $0x1B8E;
	s24 =	sld [smem:$0x3FFE];
	[sflag:s23] =	ssyncadd.s32 $0xFFFFFFFF  }
0xa5: {  	s26 =	simm.s32 $execute0_lowered;
	[smem:$0x3FD2] =	sst s25  }
0xa6: {  	s5 =	sshll.u32 s26, $0x1;
	_ =	strace $0x80000046;
	[dreg:$0x1] =	wrdreg $0xFFFFFFFF  }
0xa7: {  	s28 =	simm.s32 $_size_execute0_lowered;
	s3 =	sadd.s32 s3, s5;
	[dreg:$0x0] =	wrdreg $0x0  }
0xa8: {  	s5 =	sshll.u32 s28, $0x1;
	[dreg:$0x2] =	wrdreg s3  }
0xa9: {  	[dreg:$0x3] =	wrdreg s5  }
0xaa: {  	[dreg:$0x4] =	wrdreg $0xC0  }
0xab: {  	_ =	task [dreg:s7], $0x5FFFF  }
0xac: {  	[dreg:$0x1] =	wrdreg $0xFFFFFFFF  }
0xad: {  	[dreg:$0x0] =	wrdreg $0x60  }
0xae: {  	[dreg:$0x2] =	wrdreg s24  }
0xaf: {  	[dreg:$0x3] =	wrdreg s2  }
0xb0: {  	[dreg:$0x4] =	wrdreg $0x9  }
0xb1: {  	_ =	task.clear_ibuf [dreg:s7], $0x5FFFF;
	_ =	strace $0x90000046  }
0xb2: {  	s29 =	simm.s32 $0x9;
	_ =	strace $0x80000048  }
0xb3: {  	_ =	swait.ge [sflag:s29], $0x1  }
0xb4: {  	[sflag:s29] =	ssyncadd.s32 $0xFFFFFFFF  }
0xb5: {  	_ =	strace $0x90000048  }
0xb6: {  	_ =	sfence  }
0xb7: {  	s30 =	sld [smem:$0x0];
	_ =	sdelay $0x2  }
0xb8: {  	s31 =	sshll.u32 s1, $0xD;
	s1 =	sshrl.u32 s1, $0x2  }
0xb9: {  	s3 =	sand.u32 $0x4000, s31;
	s1 =	sadd.s32 s1, s30  }
0xba: {  	s0 =	sor.u32 s3, s0;
	s1 =	sshll.u32 s1, $0x11  }
0xbb: {  	s0 =	sor.u32 s1, s0  }
0xbc: {  	s0 =	sadd.s32 $0x8F2B, s0  }
0xbd: {  	[sflag:s0] =	ssyncadd.remote.s32 $0x1  }
0xbe: {  	_ =	sfence.sel $0xFFFF  }
0xbf: {  	[dreg:$0x0] =	wrdreg $0xFFFFFFFF;
	(pc) =	sbr.abs _section_cstart, $3  }
0xc0: {  	[dreg:$0x1] =	wrdreg $0xFFFFFFFF  }
0xc1: {  	_ =	task.clear_ibuf [dreg:s7], $0x2FFFF;
	_ =	strace $0x9FFFFFFF  }
0xc2: {  	(tm) =	ssettm $0x7FFFFFFF  }
0xc3: {  	_ =	shalt  }
tec
execute0_lowered:
.L_overlay_start_1:
0x0: {  	(tag) =	ssettag $0x1  }
0x1: {  	s2 =	rddreg [dreg:$0x0]  }
0x2: {  	s1 =	srdreg.scid;
	s0 =	stileid.u32  }
0x3: {  	s4 =	rddreg [dreg:$0x1];
	s16 =	sand.u32 $0x1, s1;
	s5 =	sshll.u32 s0, $0x1  }
0x4: {  	s3 =	simm.s32 $0x0;
	s1 =	rddreg [dreg:$0x2];
	s17 =	sor.u32 s16, s5  }
0x5: {  	[smem:$0x7FF] =	sst s3;
	s5 =	sshll.u32 s17, $0x7  }
0x6: {  	_ =	strace $0x80000047;
	s5 =	sadd.s32 s4, s5;
	s4 =	simm.s32 $0x2  }
0x7: {  	[tilespmem:s3], [sflag:$0x2] =	stream.linear.gather [hbm4b:s5+s3], $0x400, $0x38;
	[tilespmem:$0x18400] =	vst v63  }
0x8: {  	_ =	swait.ge [sflag:s4], $0x400  }
0x9: {  	s7 =	simm.s32 $0x80;
	[sflag:s4] =	ssyncset.done $0x0  }
0xa: {  	s8 =	simm.s32 $0x400;
	s6 =	sadd.s32 $0x27200, s2;
	[sflag:s4] =	ssyncadd.s32 $0xFFFFFC00  }
0xb: {  	[tilespmem:s8], [sflag:$0x1] =	stream.indirect.gather [hbm4b:s6+s7], $0x80, s3, s7, $0xb8;
	[tilespmem:$0x18400] =	vst v63  }
0xc: {  	s9 =	simm.s32 $0xC400  }
0xd: {  	[tilespmem:s9], [sflag:$0x1] =	stream.indirect.gather [hbm4b:s2+s7], $0x80, s3, s7, $0xb8;
	[tilespmem:$0x18400] =	vst v63  }
0xe: {  	s10 =	simm.s32 $0x4400  }
0xf: {  	[tilespmem:s10], [sflag:$0x1] =	stream.indirect.gather [hbm4b:s6+s7], $0x80, s7, s7, $0xb8;
	[tilespmem:$0x18400] =	vst v63  }
0x10: {  	s11 =	simm.s32 $0x10400  }
0x11: {  	[tilespmem:s11], [sflag:$0x1] =	stream.indirect.gather [hbm4b:s2+s7], $0x80, s7, s7, $0xb8;
	[tilespmem:$0x18400] =	vst v63  }
0x12: {  	s12 =	simm.s32 $0x100;
	s13 =	simm.s32 $0x8400  }
0x13: {  	[tilespmem:s13], [sflag:$0x1] =	stream.indirect.gather [hbm4b:s6+s7], $0x80, s12, s7, $0xb8;
	[tilespmem:$0x18400] =	vst v63  }
0x14: {  	s14 =	simm.s32 $0x14400;
	s15 =	simm.s32 $0x1  }
0x15: {  	[tilespmem:s14], [sflag:$0x1] =	stream.indirect.gather [hbm4b:s2+s7], $0x80, s12, s7, $0xb8;
	[tilespmem:$0x18400] =	vst v63  }
0x16: {  	_ =	swait.ge [sflag:s15], $0x4000  }
0x17: {  	[sflag:s15] =	ssyncset.done $0x0  }
0x18: {  	[sflag:s15] =	ssyncadd.s32 $0xFFFFC000  }
0x19: {  	_ =	swait.ge [sflag:s15], $0x4000  }
0x1a: {  	[sflag:s15] =	ssyncset.done $0x0  }
0x1b: {  	[sflag:s15] =	ssyncadd.s32 $0xFFFFC000  }
0x1c: {  	_ =	swait.ge [sflag:s15], $0x4000  }
0x1d: {  	[sflag:s15] =	ssyncset.done $0x0  }
0x1e: {  	[sflag:s15] =	ssyncadd.s32 $0xFFFFC000  }
0x1f: {  	_ =	swait.ge [sflag:s15], $0x4000  }
0x20: {  	[sflag:s15] =	ssyncset.done $0x0  }
0x21: {  	[sflag:s15] =	ssyncadd.s32 $0xFFFFC000  }
0x22: {  	_ =	swait.ge [sflag:s15], $0x4000  }
0x23: {  	[sflag:s15] =	ssyncset.done $0x0  }
0x24: {  	s18 =	ssub.s32 $0x2, s16;
	s17 =	smul.u32 $0x1800, s17;
	[sflag:s15] =	ssyncadd.s32 $0xFFFFC000  }
0x25: {  	s19 =	sshrl.u32 s18, $0x1;
	_ =	swait.ge [sflag:s15], $0x4000  }
0x26: {  	s18 =	ssub.s32 s18, s19;
	s17 =	sadd.s32 s17, s2;
	[sflag:s15] =	ssyncset.done $0x0  }
0x27: {  	s18 =	smax.u32 s18, $0x1;
	s16 =	sadd.s32 $0x7E400, s17;
	[sflag:s15] =	ssyncadd.s32 $0xFFFFC000  }
0x28: {  	[hbm4b:s16+s3] =	stream.linear.scatter [tilespmem:s8], [sflag:$0x2], $0xC000, $0x38;
	[tilespmem:$0x18400] =	vst v63  }
0x29: {  	p0 =	sne.s32 s18, $0x1;
	_ =	swait.ge [sflag:s4], $0xC000  }
.Ltmp0:
0x2a: {  	[sflag:s4] =	ssyncset.done $0x0;
	(pc) =	sbr.rel @!p0 .LBB2_2-.Ltmp0, $4  }
0x2b: {  	s17 =	sadd.s32 $0x4E400, s17;
	[sflag:s4] =	ssyncadd.s32 $0xFFFF4000  }
0x2c: {  	[hbm4b:s17+s3] =	stream.linear.scatter [tilespmem:s9], [sflag:$0x2], $0xC000, $0x38;
	[tilespmem:$0x18400] =	vst v63  }
0x2d: {  	_ =	swait.ge [sflag:s4], $0xC000  }
0x2e: {  	s18 =	sadd.s32 $0xFFFFFFFF, s18;
	[sflag:s4] =	ssyncset.done $0x0  }
.LBB2_1:
0x2f: {  	p0 =	sne.s32 s18, $0x1;
	s18 =	sadd.s32 $0xFFFFFFFF, s18;
	[sflag:s4] =	ssyncadd.s32 $0xFFFF4000  }
0x30: {  	[tilespmem:s3], [sflag:$0x2] =	stream.linear.gather [hbm4b:s5+s3], $0x400, $0x38;
	[tilespmem:$0x18400] =	vst v63  }
0x31: {  	_ =	swait.ge [sflag:s4], $0x400  }
0x32: {  	[sflag:s4] =	ssyncset.done $0x0  }
0x33: {  	[sflag:s4] =	ssyncadd.s32 $0xFFFFFC00  }
0x34: {  	[tilespmem:s8], [sflag:$0x1] =	stream.indirect.gather [hbm4b:s6+s7], $0x80, s3, s7, $0xb8;
	[tilespmem:$0x18400] =	vst v63  }
0x35: {  	_ = 	snop  }
0x36: {  	[tilespmem:s9], [sflag:$0x1] =	stream.indirect.gather [hbm4b:s2+s7], $0x80, s3, s7, $0xb8;
	[tilespmem:$0x18400] =	vst v63  }
0x37: {  	_ = 	snop  }
0x38: {  	[tilespmem:s10], [sflag:$0x1] =	stream.indirect.gather [hbm4b:s6+s7], $0x80, s7, s7, $0xb8;
	[tilespmem:$0x18400] =	vst v63  }
0x39: {  	_ = 	snop  }
0x3a: {  	[tilespmem:s11], [sflag:$0x1] =	stream.indirect.gather [hbm4b:s2+s7], $0x80, s7, s7, $0xb8;
	[tilespmem:$0x18400] =	vst v63  }
0x3b: {  	_ = 	snop  }
0x3c: {  	[tilespmem:s13], [sflag:$0x1] =	stream.indirect.gather [hbm4b:s6+s7], $0x80, s12, s7, $0xb8;
	[tilespmem:$0x18400] =	vst v63  }
0x3d: {  	_ = 	snop  }
0x3e: {  	[tilespmem:s14], [sflag:$0x1] =	stream.indirect.gather [hbm4b:s2+s7], $0x80, s12, s7, $0xb8;
	[tilespmem:$0x18400] =	vst v63  }
0x3f: {  	_ =	swait.ge [sflag:s15], $0x4000  }
0x40: {  	[sflag:s15] =	ssyncset.done $0x0  }
0x41: {  	[sflag:s15] =	ssyncadd.s32 $0xFFFFC000  }
0x42: {  	_ =	swait.ge [sflag:s15], $0x4000  }
0x43: {  	[sflag:s15] =	ssyncset.done $0x0  }
0x44: {  	[sflag:s15] =	ssyncadd.s32 $0xFFFFC000  }
0x45: {  	_ =	swait.ge [sflag:s15], $0x4000  }
0x46: {  	[sflag:s15] =	ssyncset.done $0x0  }
0x47: {  	[sflag:s15] =	ssyncadd.s32 $0xFFFFC000  }
0x48: {  	_ =	swait.ge [sflag:s15], $0x4000  }
0x49: {  	[sflag:s15] =	ssyncset.done $0x0  }
0x4a: {  	[sflag:s15] =	ssyncadd.s32 $0xFFFFC000  }
0x4b: {  	_ =	swait.ge [sflag:s15], $0x4000  }
0x4c: {  	[sflag:s15] =	ssyncset.done $0x0  }
0x4d: {  	[sflag:s15] =	ssyncadd.s32 $0xFFFFC000  }
0x4e: {  	_ =	swait.ge [sflag:s15], $0x4000  }
0x4f: {  	[sflag:s15] =	ssyncset.done $0x0  }
0x50: {  	[sflag:s15] =	ssyncadd.s32 $0xFFFFC000  }
0x51: {  	[hbm4b:s16+s3] =	stream.linear.scatter [tilespmem:s8], [sflag:$0x2], $0xC000, $0x38;
	[tilespmem:$0x18400] =	vst v63  }
0x52: {  	_ =	swait.ge [sflag:s4], $0xC000  }
.Ltmp1:
0x53: {  	[sflag:s4] =	ssyncset.done $0x0;
	(pc) =	sbr.rel @p0 .LBB2_1-.Ltmp1, $4  }
0x54: {  	[sflag:s4] =	ssyncadd.s32 $0xFFFF4000  }
0x55: {  	[hbm4b:s17+s3] =	stream.linear.scatter [tilespmem:s9], [sflag:$0x2], $0xC000, $0x38;
	[tilespmem:$0x18400] =	vst v63  }
0x56: {  	_ =	swait.ge [sflag:s4], $0xC000  }
0x57: {  	[sflag:s4] =	ssyncset.done $0x0  }
.LBB2_2:
0x58: {  	[sflag:s4] =	ssyncadd.s32 $0xFFFF4000  }
0x59: {  	_ =	sfence.sel $0x180000  }
0x5a: {  	[bflag:$0x0] =	sbarrier.arrive $0xFFFF  }
0x5b: {  	p0 =	sne.s32 s0, $0x0;
	_ =	strace $0x90000047  }
0x5c: {  	s0 =	sadd.s32 @!p0 $0x100000, s1;
	[bflag:$0x2] =	sbarrier.arrive $0xFFFF  }
0x5d: {  	[sflag:s0] =	ssyncadd.tile.s32 @!p0 $0x1;
	_ =	shalt  }
.Lfunc_end2:
_tile_overlayer_lowered:
.L_overlay_start_2:
0x5e: {  	(tag) =	ssettag $0x2  }
0x5f: {  	s0 =	rddreg [dreg:$0x0];
	s2 =	stileid.u32  }
0x60: {  	s1 =	rddreg [dreg:$0x1];
	p0 =	sne.s32 s2, $0x0  }
0x61: {  	s3 =	rddreg [dreg:$0x2];
	[bflag:$0x3] =	sbarrier.arrive $0xFFFF;
	s2 =	simm.s32 @!p0 $0x1C02  }
0x62: {  	[timem:s3], [sflag:s2] =	dma.local @!p0 [hbm:s0], s1  }
0x63: {  	s0 =	simm.s32 @!p0 $0x2  }
0x64: {  	_ =	swait.ge @!p0 [sflag:s0], s1  }
0x65: {  	s1 =	ssub.s32 @!p0 $0x0, s1;
	[sflag:s0] =	ssyncset.done @!p0 $0x0  }
0x66: {  	[sflag:s0] =	ssyncadd.s32 @!p0 s1  }
0x67: {  	[bflag:$0x3] =	sbarrier.arrive $0xFFFF  }
0x68: {  	_ =	shalt  }

// kernel: kernel.8.cloned.1.call-start
scs
__scs_entry_jumppad:
0x0: {  	(pc) =	sbr.rel $0x88, $3  }
0x1: {  	(tag) =	ssettag $0x0;
	lr =	simm.s32 $0x1  }
0x2: {  	[smem:$0x3F9D] =	sst lr;
	_ =	strace $0xD0000000  }
0x3: {  	_ = 	snop  }
0x4: {  	_ = 	snop  }
0x5: {  	_ = 	snop  }
0x6: {  	_ = 	snop  }
0x7: {  	_ = 	snop  }
__scs_overlays_trampoline_lowered:
0x8: {  	[smem:$0x3FAC] =	sst s0  }
0x9: {  	[smem:$0x3FAD] =	sst s1  }
0xa: {  	[smem:$0x3FAE] =	sst s2  }
0xb: {  	[smem:$0x3FAF] =	sst s3  }
0xc: {  	[smem:$0x3FB0] =	sst s4  }
0xd: {  	[smem:$0x3FB1] =	sst s5  }
0xe: {  	[smem:$0x3FB2] =	sst s6  }
0xf: {  	[smem:$0x3FB3] =	sst s7  }
0x10: {  	[smem:$0x3FB4] =	sst s8  }
0x11: {  	[smem:$0x3FB5] =	sst s9;
	s0 =	simm.s32 @!p0 $0x0  }
0x12: {  	s1 =	sld [smem:$0x3F9B];
	s0 =	simm.s32 @p0 $0x1  }
0x13: {  	[smem:$0x3FB6] =	sst s0;
	s0 =	simm.s32 @!p1 $0x0  }
0x14: {  	s2 =	sld [smem:$0x3F9A];
	s0 =	simm.s32 @p1 $0x1  }
0x15: {  	[smem:$0x3FB7] =	sst s0;
	s0 =	simm.s32 @!p2 $0x0  }
0x16: {  	s3 =	sld [smem:$0x3FDB];
	s0 =	simm.s32 @p2 $0x1  }
0x17: {  	s4 =	simm.s32 $0x1BF5;
	[smem:$0x3FB9] =	sst s0  }
0x18: {  	s0 =	sld [smem:$0x3F9C];
	_ =	swait.ge [sflag:s4], $0x0  }
0x19: {  	s7 =	sld [smem:$0x3F9D]  }
0x1a: {  	s8 =	sadd.s32 $0xFFFFE003, lr  }
0x1b: {  	s9 =	sadd.s32 $0xFFFFFEF7, lr;
	s5 =	simm.s32 $0xFFFFFFFF;
	p2 =	slt.u32 s8, $0xFFFFF086  }
0x1c: {  	p1 =	slt.u32 s9, $0xF7A;
	s5 =	simm.s32 @!p2 $0x0  }
0x1d: {  	s5 =	simm.s32 @p1 $0x1;
	p0 =	seq.s32 s7, s2  }
0x1e: {  	s7 =	smul.u32 @!p0 $0xF7A, s2;
	p2 =	seq.s32 @!p0 s5, $0x0  }
0x1f: {  	s9 =	smul.u32 $0xF7A, s1;
	s8 =	simm.s32 @!p0 $0x1BF5;
	p2 =	por !p2, p0  }
0x20: {  	[sflag:s8] =	ssyncset.s32 @!p0 $0xFFFFF086;
	s6 =	sadd.s32 @!p0 s3, s7;
	s7 =	simm.s32 @!p0 $0x108  }
0x21: {  	s3 =	sadd.s32 s3, s9;
	s6 =	sadd.s32 @!p0 $0x88, s6;
	s7 =	simm.s32 @p2 $0x1082  }
0x22: {  	[simem:s7], [sflag:s8] =	dma.local @!p0 [hbm:s6], $0xF7A  }
0x23: {  	s9 =	sor.u32 $0xD0000000, s2;
	s6 =	simm.s32 $0x108;
	_ =	swait.ge @!p0 [sflag:s8], $0x0  }
0x24: {  	s3 =	sadd.s32 $0x88, s3;
	s6 =	simm.s32 @!p1 $0x1082;
	[sflag:s4] =	ssyncset.s32 $0xFFFFF086  }
0x25: {  	[simem:s6], [sflag:s4] =	dma.local [hbm:s3], $0xF7A  }
0x26: {  	[smem:$0x3F9D] =	sst s1;
	(tag) =	ssettag s2;
	_ =	strace s9  }
0x27: {  	s1 =	sld [smem:$0x3FAD]  }
0x28: {  	s2 =	sld [smem:$0x3FAE]  }
0x29: {  	s4 =	sld [smem:$0x3FB0]  }
0x2a: {  	p0 =	seq.s32 s5, $0x0;
	s5 =	sld [smem:$0x3FB1]  }
0x2b: {  	s6 =	sld [smem:$0x3FB2]  }
0x2c: {  	s7 =	sld [smem:$0x3FB3]  }
0x2d: {  	s3 =	simm.s32 $0x108;
	s8 =	sld [smem:$0x3FB4]  }
0x2e: {  	s3 =	simm.s32 @!p0 $0x1082;
	s9 =	sld [smem:$0x3FB5]  }
0x2f: {  	lr =	sadd.s32 s0, s3;
	s0 =	sld [smem:$0x3FAC]  }
0x30: {  	s3 =	sld [smem:$0x3FAF]  }
0x31: {  	[smem:$0x3FB8] =	sst s10  }
0x32: {  	s10 =	sld [smem:$0x3FB6];
	_ =	sdelay $0x3  }
0x33: {  	p0 =	seq.s32 s10, $0x1;
	s10 =	sld [smem:$0x3FB8];
	_ =	sdelay $0x3  }
0x34: {  	[smem:$0x3FB8] =	sst s10  }
0x35: {  	s10 =	sld [smem:$0x3FB7];
	_ =	sdelay $0x3  }
0x36: {  	p1 =	seq.s32 s10, $0x1;
	s10 =	sld [smem:$0x3FB8];
	_ =	sdelay $0x3  }
0x37: {  	[smem:$0x3FB8] =	sst s10  }
0x38: {  	s10 =	sld [smem:$0x3FB9]  }
0x39: {  	_ = 	snop;
	(pc) =	sbr.ind lr, $3  }
0x3a: {  	_ = 	snop  }
0x3b: {  	_ = 	snop  }
0x3c: {  	p2 =	seq.s32 s10, $0x1;
	s10 =	sld [smem:$0x3FB8]  }
0x3d: {  	_ =	shalt  }
0x3e: {  	_ =	shalt  }
0x3f: {  	_ =	shalt  }
0x40: {  	_ =	shalt  }
0x41: {  	_ =	shalt  }
0x42: {  	_ =	shalt  }
0x43: {  	_ =	shalt  }
0x44: {  	_ =	shalt  }
0x45: {  	_ =	shalt  }
0x46: {  	_ =	shalt  }
0x47: {  	_ =	shalt  }
0x48: {  	_ =	shalt  }
0x49: {  	_ =	shalt  }
0x4a: {  	_ =	shalt  }
0x4b: {  	_ =	shalt  }
0x4c: {  	_ =	shalt  }
0x4d: {  	_ =	shalt  }
0x4e: {  	_ =	shalt  }
0x4f: {  	_ =	shalt  }
0x50: {  	_ =	shalt  }
0x51: {  	_ =	shalt  }
0x52: {  	_ =	shalt  }
0x53: {  	_ =	shalt  }
0x54: {  	_ =	shalt  }
0x55: {  	_ =	shalt  }
0x56: {  	_ =	shalt  }
0x57: {  	_ =	shalt  }
0x58: {  	_ =	shalt  }
0x59: {  	_ =	shalt  }
0x5a: {  	_ =	shalt  }
0x5b: {  	_ =	shalt  }
0x5c: {  	_ =	shalt  }
0x5d: {  	_ =	shalt  }
0x5e: {  	_ =	shalt  }
0x5f: {  	_ =	shalt  }
0x60: {  	_ =	shalt  }
0x61: {  	_ =	shalt  }
0x62: {  	_ =	shalt  }
0x63: {  	_ =	shalt  }
0x64: {  	_ =	shalt  }
0x65: {  	_ =	shalt  }
0x66: {  	_ =	shalt  }
0x67: {  	_ =	shalt  }
0x68: {  	_ =	shalt  }
0x69: {  	_ =	shalt  }
0x6a: {  	_ =	shalt  }
0x6b: {  	_ =	shalt  }
0x6c: {  	_ =	shalt  }
0x6d: {  	_ =	shalt  }
0x6e: {  	_ =	shalt  }
0x6f: {  	_ =	shalt  }
0x70: {  	_ =	shalt  }
0x71: {  	_ =	shalt  }
0x72: {  	_ =	shalt  }
0x73: {  	_ =	shalt  }
0x74: {  	_ =	shalt  }
0x75: {  	_ =	shalt  }
0x76: {  	_ =	shalt  }
0x77: {  	_ =	shalt  }
0x78: {  	_ =	shalt  }
0x79: {  	_ =	shalt  }
0x7a: {  	_ =	shalt  }
0x7b: {  	_ =	shalt  }
0x7c: {  	_ =	shalt  }
0x7d: {  	_ =	shalt  }
0x7e: {  	_ =	shalt  }
0x7f: {  	_ =	shalt  }
0x80: {  	_ =	shalt  }
0x81: {  	_ =	shalt  }
0x82: {  	_ =	shalt  }
0x83: {  	_ =	shalt  }
0x84: {  	_ =	shalt  }
0x85: {  	_ =	shalt  }
0x86: {  	_ =	shalt  }
0x87: {  	_ =	shalt  }
.Lfunc_end0:
.L_simem_size_0:
called_computation.1_lowered:
.L_overlay_start_0:
0x88: {  	s2 =	sld [smem:$0x3FD9]  }
0x89: {  	s3 =	sld [smem:$0x3FFE];
	_ =	sdelay $0x1  }
0x8a: {  	s1 =	srdreg.scid  }
0x8b: {  	s0 =	sand.u32 $0x1, s1  }
0x8c: {  	s16 =	sshll.u32 s0, $0xA;
	s2 =	sadd.s32 s3, s2  }
0x8d: {  	s2 =	sadd.s32 s2, s16  }
0x8e: {  	[smem:$0x3FC4] =	sst s2  }
0x8f: {  	_ = 	snop  }
0x90: {  	(tm) =	ssettm $0x1  }
0x91: {  	s17 =	sld [smem:$0x3FFB];
	_ =	sdelay $0x3  }
0x92: {  	_ =	strace s17  }
0x93: {  	s2 =	sld [smem:$0x3FFC];
	_ =	sdelay $0x3  }
0x94: {  	_ =	strace s2  }
0x95: {  	s2 =	sld [smem:$0x3FFD];
	_ =	sdelay $0x3  }
0x96: {  	_ =	strace s2  }
0x97: {  	_ =	strace $0x8FFFFFFF  }
0x98: {  	s18 =	sld [smem:$0x3FDB];
	_ =	sdelay $0x1  }
0x99: {  	s19 =	simm.s32 $_scs_section_size  }
0x9a: {  	s4 =	simm.s32 $_size__tile_overlayer_lowered;
	s5 =	simm.s32 $_tile_overlayer_lowered  }
0x9b: {  	s22 =	simm.s32 $0x1BFF;
	s21 =	sshll.u32 s5, $0x1;
	s2 =	sadd.s32 s19, s18  }
0x9c: {  	s6 =	simm.s32 $0x0;
	s20 =	sshll.u32 s4, $0x1;
	s4 =	sadd.s32 s21, s2  }
0x9d: {  	[timem:s6], [sflag:s22] =	dma.local [hbm:s4], s20  }
0x9e: {  	_ =	swait.ge [sflag:s22], s20  }
0x9f: {  	s3 =	ssub.s32 $0x0, s20;
	[sflag:s22] =	ssyncset.done $0x0  }
0xa0: {  	[sflag:s22] =	ssyncadd.s32 s3;
	_ =	sdelay $0x1  }
0xa1: {  	s23 =	simm.s32 $0x1B8B  }
0xa2: {  	_ =	swait.ge [sflag:s23], $0x1  }
0xa3: {  	[sflag:s23] =	ssyncset.done $0x0  }
0xa4: {  	s25 =	simm.s32 $0x1B8E;
	s24 =	sld [smem:$0x3FFE];
	[sflag:s23] =	ssyncadd.s32 $0xFFFFFFFF  }
0xa5: {  	s26 =	simm.s32 $execute0_lowered;
	[smem:$0x3FD2] =	sst s25  }
0xa6: {  	s4 =	sshll.u32 s26, $0x1;
	_ =	strace $0x80000049;
	[dreg:$0x1] =	wrdreg $0xFFFFFFFF  }
0xa7: {  	s28 =	simm.s32 $_size_execute0_lowered;
	s2 =	sadd.s32 s2, s4;
	[dreg:$0x0] =	wrdreg $0x0  }
0xa8: {  	s4 =	sshll.u32 s28, $0x1;
	[dreg:$0x2] =	wrdreg s2  }
0xa9: {  	[dreg:$0x3] =	wrdreg s4  }
0xaa: {  	[dreg:$0x4] =	wrdreg $0xC0  }
0xab: {  	_ =	task [dreg:s6], $0x5FFFF  }
0xac: {  	[dreg:$0x1] =	wrdreg $0xFFFFFFFF  }
0xad: {  	[dreg:$0x0] =	wrdreg $0x60  }
0xae: {  	[dreg:$0x2] =	wrdreg s24  }
0xaf: {  	[dreg:$0x3] =	wrdreg $0x9  }
0xb0: {  	_ =	task.clear_ibuf [dreg:s6], $0x4FFFF;
	_ =	strace $0x90000049  }
0xb1: {  	s29 =	simm.s32 $0x9;
	_ =	strace $0x8000004B  }
0xb2: {  	_ =	swait.ge [sflag:s29], $0x1  }
0xb3: {  	[sflag:s29] =	ssyncadd.s32 $0xFFFFFFFF  }
0xb4: {  	_ =	strace $0x9000004B  }
0xb5: {  	_ =	sfence  }
0xb6: {  	s30 =	sld [smem:$0x0];
	_ =	sdelay $0x2  }
0xb7: {  	s31 =	sshll.u32 s1, $0xD;
	s1 =	sshrl.u32 s1, $0x2  }
0xb8: {  	s3 =	sand.u32 $0x4000, s31;
	s1 =	sadd.s32 s1, s30  }
0xb9: {  	s0 =	sor.u32 s3, s0;
	s1 =	sshll.u32 s1, $0x11  }
0xba: {  	s0 =	sor.u32 s1, s0  }
0xbb: {  	s0 =	sadd.s32 $0x8F2B, s0  }
0xbc: {  	[sflag:s0] =	ssyncadd.remote.s32 $0x1  }
0xbd: {  	_ =	sfence.sel $0xFFFF  }
0xbe: {  	[dreg:$0x0] =	wrdreg $0xFFFFFFFF;
	(pc) =	sbr.abs _section_cstart, $3  }
0xbf: {  	[dreg:$0x1] =	wrdreg $0xFFFFFFFF  }
0xc0: {  	_ =	task.clear_ibuf [dreg:s6], $0x2FFFF;
	_ =	strace $0x9FFFFFFF  }
0xc1: {  	(tm) =	ssettm $0x7FFFFFFF  }
tec
execute0_lowered:
.L_overlay_start_1:
0x0: {  	(tag) =	ssettag $0x1  }
0x1: {  	s1 =	srdreg.scid;
	s0 =	stileid.u32  }
0x2: {  	s13 =	sand.u32 $0x1, s1;
	s31 =	sshll.u32 s0, $0x1  }
0x3: {  	s5 =	sor.u32 s13, s31  }
0x4: {  	s7 =	rddreg [dreg:$0x0];
	s2 =	simm.s32 $0x0;
	s3 =	sshll.u32 s5, $0x7  }
0x5: {  	s4 =	simm.s32 $0x2;
	[smem:$0x7FF] =	sst s2;
	s3 =	sadd.s32 s3, s7  }
0x6: {  	s1 =	rddreg [dreg:$0x1];
	_ =	strace $0x8000004A;
	s3 =	sadd.s32 $0xAE600, s3  }
0x7: {  	[tilespmem:s2], [sflag:$0x2] =	stream.linear.gather [hbm4b:s3+s2], $0x400, $0x38;
	[tilespmem:$0xC400] =	vst v63  }
0x8: {  	s5 =	smul.u32 $0x1800, s5;
	_ =	swait.ge [sflag:s4], $0x400  }
0x9: {  	[sflag:s4] =	ssyncset.done $0x0  }
0xa: {  	s6 =	simm.s32 $0x400;
	s5 =	sadd.s32 s7, s5;
	[sflag:s4] =	ssyncadd.s32 $0xFFFFFC00  }
0xb: {  	[tilespmem:s6], [sflag:$0x2] =	stream.linear.gather [hbm4b:s5+s2], $0xC000, $0x38;
	[tilespmem:$0xC400] =	vst v63  }
0xc: {  	_ =	swait.ge [sflag:s4], $0xC000  }
0xd: {  	[sflag:s4] =	ssyncset.done $0x0  }
0xe: {  	s8 =	simm.s32 $0x80;
	s7 =	sadd.s32 $0x30000, s7;
	[sflag:s4] =	ssyncadd.s32 $0xFFFF4000  }
0xf: {  	[hbm4b:s7+s8] =	stream.indirect.scatter [tilespmem:s6], [sflag:$0x1], $0x80, s2, s8, $0xb8;
	[tilespmem:$0xC400] =	vst v63  }
0x10: {  	s9 =	simm.s32 $0x4400;
	s10 =	simm.s32 $0x100;
	s13 =	ssub.s32 $0x2, s13  }
0x11: {  	[hbm4b:s7+s8] =	stream.indirect.scatter [tilespmem:s9], [sflag:$0x1], $0x80, s8, s8, $0xb8;
	[tilespmem:$0xC400] =	vst v63  }
0x12: {  	s12 =	simm.s32 $0x8400;
	s11 =	simm.s32 $0x1;
	s14 =	sshrl.u32 s13, $0x1  }
0x13: {  	[hbm4b:s7+s8] =	stream.indirect.scatter [tilespmem:s12], [sflag:$0x1], $0x80, s10, s8, $0xb8;
	[tilespmem:$0xC400] =	vst v63  }
0x14: {  	s13 =	ssub.s32 s13, s14;
	_ =	swait.ge [sflag:s11], $0x4000  }
0x15: {  	s13 =	smax.u32 s13, $0x1;
	[sflag:s11] =	ssyncset.done $0x0  }
0x16: {  	p0 =	sne.s32 s13, $0x1;
	[sflag:s11] =	ssyncadd.s32 $0xFFFFC000  }
.Ltmp0:
0x17: {  	_ =	swait.ge [sflag:s11], $0x4000;
	(pc) =	sbr.rel @!p0 .LBB2_2-.Ltmp0, $4  }
0x18: {  	[sflag:s11] =	ssyncset.done $0x0  }
0x19: {  	[sflag:s11] =	ssyncadd.s32 $0xFFFFC000  }
0x1a: {  	_ =	swait.ge [sflag:s11], $0x4000  }
0x1b: {  	s13 =	sadd.s32 $0xFFFFFFFF, s13;
	[sflag:s11] =	ssyncset.done $0x0  }
.LBB2_1:
0x1c: {  	p0 =	sne.s32 s13, $0x1;
	s13 =	sadd.s32 $0xFFFFFFFF, s13;
	[sflag:s11] =	ssyncadd.s32 $0xFFFFC000  }
0x1d: {  	[tilespmem:s2], [sflag:$0x2] =	stream.linear.gather [hbm4b:s3+s2], $0x400, $0x38;
	[tilespmem:$0xC400] =	vst v63  }
0x1e: {  	_ =	swait.ge [sflag:s4], $0x400  }
0x1f: {  	[sflag:s4] =	ssyncset.done $0x0  }
0x20: {  	[sflag:s4] =	ssyncadd.s32 $0xFFFFFC00  }
0x21: {  	[tilespmem:s6], [sflag:$0x2] =	stream.linear.gather [hbm4b:s5+s2], $0xC000, $0x38;
	[tilespmem:$0xC400] =	vst v63  }
0x22: {  	_ =	swait.ge [sflag:s4], $0xC000  }
0x23: {  	[sflag:s4] =	ssyncset.done $0x0  }
0x24: {  	[sflag:s4] =	ssyncadd.s32 $0xFFFF4000  }
0x25: {  	[hbm4b:s7+s8] =	stream.indirect.scatter [tilespmem:s6], [sflag:$0x1], $0x80, s2, s8, $0xb8;
	[tilespmem:$0xC400] =	vst v63  }
0x26: {  	_ = 	snop  }
0x27: {  	[hbm4b:s7+s8] =	stream.indirect.scatter [tilespmem:s9], [sflag:$0x1], $0x80, s8, s8, $0xb8;
	[tilespmem:$0xC400] =	vst v63  }
0x28: {  	_ = 	snop  }
0x29: {  	[hbm4b:s7+s8] =	stream.indirect.scatter [tilespmem:s12], [sflag:$0x1], $0x80, s10, s8, $0xb8;
	[tilespmem:$0xC400] =	vst v63  }
0x2a: {  	_ =	swait.ge [sflag:s11], $0x4000  }
0x2b: {  	[sflag:s11] =	ssyncset.done $0x0  }
0x2c: {  	[sflag:s11] =	ssyncadd.s32 $0xFFFFC000  }
.Ltmp1:
0x2d: {  	_ =	swait.ge [sflag:s11], $0x4000;
	(pc) =	sbr.rel @p0 .LBB2_1-.Ltmp1, $4  }
0x2e: {  	[sflag:s11] =	ssyncset.done $0x0  }
0x2f: {  	[sflag:s11] =	ssyncadd.s32 $0xFFFFC000  }
0x30: {  	_ =	swait.ge [sflag:s11], $0x4000  }
0x31: {  	[sflag:s11] =	ssyncset.done $0x0  }
.LBB2_2:
0x32: {  	[sflag:s11] =	ssyncadd.s32 $0xFFFFC000  }
0x33: {  	_ =	sfence.sel $0x180000  }
0x34: {  	[bflag:$0x0] =	sbarrier.arrive $0xFFFF  }
0x35: {  	p0 =	sne.s32 s0, $0x0;
	_ =	strace $0x9000004A  }
0x36: {  	s0 =	sadd.s32 @!p0 $0x100000, s1;
	[bflag:$0x2] =	sbarrier.arrive $0xFFFF  }
0x37: {  	[sflag:s0] =	ssyncadd.tile.s32 @!p0 $0x1;
	_ =	shalt  }
.Lfunc_end2:
_tile_overlayer_lowered:
.L_overlay_start_2:
0x38: {  	(tag) =	ssettag $0x2  }
0x39: {  	s0 =	rddreg [dreg:$0x0];
	s2 =	stileid.u32  }
0x3a: {  	s1 =	rddreg [dreg:$0x1];
	p0 =	sne.s32 s2, $0x0  }
0x3b: {  	s3 =	rddreg [dreg:$0x2];
	[bflag:$0x3] =	sbarrier.arrive $0xFFFF;
	s2 =	simm.s32 @!p0 $0x1C02  }
0x3c: {  	[timem:s3], [sflag:s2] =	dma.local @!p0 [hbm:s0], s1  }
0x3d: {  	s0 =	simm.s32 @!p0 $0x2  }
0x3e: {  	_ =	swait.ge @!p0 [sflag:s0], s1  }
0x3f: {  	s1 =	ssub.s32 @!p0 $0x0, s1;
	[sflag:s0] =	ssyncset.done @!p0 $0x0  }
0x40: {  	[sflag:s0] =	ssyncadd.s32 @!p0 s1  }
0x41: {  	[bflag:$0x3] =	sbarrier.arrive $0xFFFF  }
0x42: {  	_ =	shalt  }

</sc_bundles>
